<compile_context>
chip_gen: v7x
topology: tpu7x:2x2x1
jax: 0.10.2.dev20260603
libtpu: 0.0.44.dev20260713+nightly
codegen_flags: <defaults>
</compile_context>

<pallas_src>
import functools

import jax
import jax.numpy as jnp
from jax import lax
from jax.experimental import pallas as pl
from jax.experimental.pallas import tpu as pltpu
from jax.experimental.pallas import tpu_sc as plsc

B, N = 128, 100000

TC_N = 89760
CHS = 5280
NCS = TC_N // CHS
SLS = CHS // 8

SC_START = TC_N
SC_N = N - TC_N
NW = 32
RPW = SC_N // NW
SLAB = 160
NSLAB = RPW // SLAB

CH = 4000
NC = N // CH
SL = CH // 8


def _stats_body(lg_ref, mk_ref, am_ref, as_ref, accm_ref, accs_ref):
    c = pl.program_id(0)
    NEG = jnp.float32(-1e9)

    @pl.when(c == 0)
    def _():
        accm_ref[...] = jnp.full((8, B), NEG, jnp.float32)
        accs_ref[...] = jnp.zeros((8, B), jnp.float32)

    mkf = mk_ref[...].astype(jnp.float32)
    ml3 = (lg_ref[...] * mkf + (mkf - 1.0) * (-NEG)).reshape(SLS, 8, B)
    cm = jnp.max(ml3, axis=0)
    am = accm_ref[...]
    nm = jnp.maximum(am, cm)
    cs = jnp.sum(jnp.exp(ml3 - nm[None]), axis=0)
    ns = accs_ref[...] * jnp.exp(am - nm) + cs
    accm_ref[...] = nm
    accs_ref[...] = ns

    @pl.when(c == NCS - 1)
    def _():
        am_ref[...] = nm
        as_ref[...] = ns


def _sc_stats(lg_hbm, mkf_hbm, m_out, s_out, lg_v, mk_v, st_v):
    wid = lax.axis_index("s") * 2 + lax.axis_index("c")
    base = SC_START + wid * RPW
    NEG = jnp.float32(-1e9)

    def slab_loop(pass2, carry0):
        def body(t, carry):
            pltpu.sync_copy(lg_hbm.at[pl.ds(base + t * SLAB, SLAB)], lg_v)
            pltpu.sync_copy(mkf_hbm.at[pl.ds(wid * RPW + t * SLAB, SLAB)], mk_v)

            def row(r, c):
                out = []
                for k in range(8):
                    x = lg_v[r, pl.ds(k * 16, 16)]
                    mf = mk_v[r, pl.ds(k * 16, 16)]
                    ml = x * mf + (mf - 1.0) * jnp.float32(1e9)
                    if pass2:
                        out.append(c[k] + jnp.exp(ml - c[8 + k]))
                    else:
                        out.append(jnp.maximum(c[k], ml))
                return tuple(out) + tuple(c[8:])

            return lax.fori_loop(0, SLAB, row, carry)

        return lax.fori_loop(0, NSLAB, body, carry0)

    negs = tuple(jnp.full((16,), NEG, jnp.float32) for _ in range(8))
    mres = slab_loop(False, negs + negs)[:8]
    zeros = tuple(jnp.zeros((16,), jnp.float32) for _ in range(8))
    sres = slab_loop(True, zeros + mres)[:8]

    for k in range(8):
        st_v[0, pl.ds(k * 16, 16)] = mres[k]
        st_v[1, pl.ds(k * 16, 16)] = sres[k]
    pltpu.sync_copy(st_v.at[0], m_out.at[wid])
    pltpu.sync_copy(st_v.at[1], s_out.at[wid])


def _argmax_body(lg_ref, mk_ref, gm_ref, am_ref, as_ref, scm_ref, scs_ref,
                 act_ref, lp_ref, m_scr, ic_scr, vm_ref, ix_ref, gl_ref):
    c = pl.program_id(0)
    NEG = jnp.float32(-1e9)
    BIG = jnp.int32(2 ** 30)

    @pl.when(c == 0)
    def _():
        am = am_ref[...]
        sc_m = scm_ref[...]
        m_b = jnp.maximum(jnp.max(am, axis=0, keepdims=True),
                          jnp.max(sc_m, axis=0, keepdims=True))
        ssum = (jnp.sum(as_ref[...] * jnp.exp(am - m_b), axis=0, keepdims=True)
                + jnp.sum(scs_ref[...] * jnp.exp(sc_m - m_b), axis=0,
                          keepdims=True))
        m_scr[...] = m_b
        ic_scr[...] = jnp.where(m_b > jnp.float32(-0.5e9),
                                1.0 / (ssum * (1.0 + jnp.float32(1e-8))), 0.0)
        vm_ref[...] = jnp.full((8, B), -jnp.inf, jnp.float32)
        ix_ref[...] = jnp.zeros((8, B), jnp.int32)
        gl_ref[...] = jnp.zeros((8, B), jnp.float32)

    gm3 = gm_ref[...].reshape(SL, 8, B)
    mkf = mk_ref[...].astype(jnp.float32)
    ml3 = (lg_ref[...] * mkf + (mkf - 1.0) * (-NEG)).reshape(SL, 8, B)
    m_b = m_scr[...][None]
    ic = ic_scr[...][None]
    v3 = jnp.log(jnp.exp(ml3 - m_b) * ic + jnp.float32(1e-9)) + gm3

    cmv = jnp.max(v3, axis=0)
    ci = jnp.argmax(v3, axis=0).astype(jnp.int32)
    i3 = jax.lax.broadcasted_iota(jnp.int32, (SL, 8, B), 0)
    cg = jnp.sum(jnp.where(i3 == ci[None], gm3, 0.0), axis=0)

    sub = jax.lax.broadcasted_iota(jnp.int32, (8, B), 0)
    cr = c * CH + ci * 8 + sub

    vm = vm_ref[...]
    upd = cmv > vm
    nvm = jnp.where(upd, cmv, vm)
    nix = jnp.where(upd, cr, ix_ref[...])
    ngl = jnp.where(upd, cg, gl_ref[...])
    vm_ref[...] = nvm
    ix_ref[...] = nix
    gl_ref[...] = ngl

    @pl.when(c == NC - 1)
    def _():
        vmax = jnp.max(nvm, axis=0, keepdims=True)
        cand = jnp.min(jnp.where(nvm == vmax, nix, BIG), axis=0, keepdims=True)
        g_at = jnp.sum(jnp.where(nix == cand, ngl, 0.0), axis=0, keepdims=True)
        act_ref[...] = cand
        lp_ref[...] = vmax - g_at


def _sc_stats_call(lgt, mkf_sc):
    mesh = plsc.VectorSubcoreMesh(core_axis_name="c", subcore_axis_name="s")
    kfn = functools.partial(
        pl.kernel,
        mesh=mesh,
        out_type=[
            jax.ShapeDtypeStruct((NW, B), jnp.float32),
            jax.ShapeDtypeStruct((NW, B), jnp.float32),
        ],
        scratch_types=[
            pltpu.VMEM((SLAB, B), jnp.float32),
            pltpu.VMEM((SLAB, B), jnp.float32),
            pltpu.VMEM((2, B), jnp.float32),
        ],
    )(_sc_stats)
    return kfn(lgt, mkf_sc)


def kernel(logits, mask, gumbel):
    lgt = logits.T
    gmt = gumbel.T
    mkt = mask.T.astype(jnp.uint8)
    mkf_sc = mask.T[SC_START:].astype(jnp.float32)

    am, asum = pl.pallas_call(
        _stats_body,
        grid=(NCS,),
        in_specs=[
            pl.BlockSpec((CHS, B), lambda c: (c, 0)),
            pl.BlockSpec((CHS, B), lambda c: (c, 0)),
        ],
        out_specs=[
            pl.BlockSpec((8, B), lambda c: (0, 0)),
            pl.BlockSpec((8, B), lambda c: (0, 0)),
        ],
        out_shape=[
            jax.ShapeDtypeStruct((8, B), jnp.float32),
            jax.ShapeDtypeStruct((8, B), jnp.float32),
        ],
        scratch_shapes=[
            pltpu.VMEM((8, B), jnp.float32),
            pltpu.VMEM((8, B), jnp.float32),
        ],
    )(lgt, mkt)

    scm, scs = _sc_stats_call(lgt, mkf_sc)

    acts, lps = pl.pallas_call(
        _argmax_body,
        grid=(NC,),
        in_specs=[
            pl.BlockSpec((CH, B), lambda c: (c, 0)),
            pl.BlockSpec((CH, B), lambda c: (c, 0)),
            pl.BlockSpec((CH, B), lambda c: (c, 0)),
            pl.BlockSpec((8, B), lambda c: (0, 0)),
            pl.BlockSpec((8, B), lambda c: (0, 0)),
            pl.BlockSpec((NW, B), lambda c: (0, 0)),
            pl.BlockSpec((NW, B), lambda c: (0, 0)),
        ],
        out_specs=[
            pl.BlockSpec((1, B), lambda c: (0, 0)),
            pl.BlockSpec((1, B), lambda c: (0, 0)),
        ],
        out_shape=[
            jax.ShapeDtypeStruct((1, B), jnp.int32),
            jax.ShapeDtypeStruct((1, B), jnp.float32),
        ],
        scratch_shapes=[
            pltpu.VMEM((1, B), jnp.float32),
            pltpu.VMEM((1, B), jnp.float32),
            pltpu.VMEM((8, B), jnp.float32),
            pltpu.VMEM((8, B), jnp.int32),
            pltpu.VMEM((8, B), jnp.float32),
        ],
    )(lgt, mkt, gmt, am, asum, scm, scs)

    return acts.reshape(B), lps.reshape(B)

# --- scband reference (transcript-rebuilt; emitter-appended) ---
"""Pipeline reference for scband-ppoagent-27917287424477 (READ-ONLY COPY).

The authoritative reference and input builder live on the scoring server;
editing this copy changes nothing except your own understanding.
"""

import jax, jax.numpy as jnp
import numpy as np

B, N = 128, 100000

def setup_inputs(seed: int = 0) -> dict:
    key = jax.random.key(seed)
    k1, k2, k3 = jax.random.split(key, 3)
    logits = jax.random.normal(k1, (B, N), dtype=jnp.float32)
    mask = jax.random.randint(k2, (B, N), 0, 2).astype(bool)
    u = jax.random.uniform(k3, (B, N), dtype=jnp.float32, minval=1e-6, maxval=1.0 - 1e-6)
    gumbel = -jnp.log(-jnp.log(u))
    return {"logits": logits, "mask": mask, "gumbel": gumbel}

def reference(logits, mask, gumbel):
    # Mirrors PPOAgent.select_action masked-softmax categorical sampling,
    # vectorized over a batch of states (each row = one variable action space).
    masked_logits = jnp.where(mask, logits, jnp.float32(-1e9))
    probs = jax.nn.softmax(masked_logits, axis=-1)
    probs = probs * mask.astype(jnp.float32)
    probs = probs / (jnp.sum(probs, axis=-1, keepdims=True) + 1e-8)
    logp = jnp.log(probs + 1e-9)
    # Categorical sample via Gumbel-max trick (gumbel noise supplied as input
    # so the reference is deterministic given inputs).
    actions = jnp.argmax(logp + gumbel, axis=-1)
    logprobs = jnp.take_along_axis(logp, actions[:, None], axis=-1)[:, 0]
    return actions, logprobs

if __name__ == "__main__":
    import jax
    _d = setup_inputs()
    print(jax.jit(kernel)(*tuple(_d.values())))

</pallas_src>

<mosaic_0001>
#map = affine_map<(d0, d1) -> (0, 0)>
module attributes {stable_mosaic.version = 14 : i64} {
  func.func @_sc_stats(%arg0: i32, %arg1: i32, %arg2: memref<100000x128xf32, #tpu.memory_space<hbm>>, %arg3: memref<10240x128xf32, #tpu.memory_space<hbm>>, %arg4: memref<32x128xf32, #tpu.memory_space<hbm>>, %arg5: memref<32x128xf32, #tpu.memory_space<hbm>>, %arg6: memref<160x128xf32, #tpu.memory_space<vmem>>, %arg7: memref<160x128xf32, #tpu.memory_space<vmem>>, %arg8: memref<2x128xf32, #tpu.memory_space<vmem>>) attributes {dimension_semantics = [#tpu.dimension_semantics<core_parallel>, #tpu.dimension_semantics<subcore_parallel>], iteration_bounds = array<i64: 2, 16>, scalar_prefetch = 0 : i64, scratch_operands = 3 : i64, tpu.core_type = #tpu.core_type<sc_vector_subcore>, window_params = [{transform_indices = #map}, {transform_indices = #map}, {transform_indices = #map}, {transform_indices = #map}]} {
    %mul3A = arith.constant 2 : i32
    %mul3A_0 = arith.muli %arg1, %mul3A : i32
    %add3A = arith.addi %mul3A_0, %arg0 : i32
    %mul3A_1 = arith.constant 320 : i32
    %mul3A_2 = arith.muli %add3A, %mul3A_1 : i32
    %add3A_3 = arith.constant 89760 : i32
    %add3A_4 = arith.addi %add3A_3, %mul3A_2 : i32
    %broadcast_in_dim3A = arith.constant -1.000000e+09 : f32
    %broadcast_in_dim3A_5 = vector.broadcast %broadcast_in_dim3A : f32 to vector<16xf32>
    %broadcast_in_dim3A_6 = arith.constant -1.000000e+09 : f32
    %broadcast_in_dim3A_7 = vector.broadcast %broadcast_in_dim3A_6 : f32 to vector<16xf32>
    %broadcast_in_dim3A_8 = arith.constant -1.000000e+09 : f32
    %broadcast_in_dim3A_9 = vector.broadcast %broadcast_in_dim3A_8 : f32 to vector<16xf32>
    %broadcast_in_dim3A_10 = arith.constant -1.000000e+09 : f32
    %broadcast_in_dim3A_11 = vector.broadcast %broadcast_in_dim3A_10 : f32 to vector<16xf32>
    %broadcast_in_dim3A_12 = arith.constant -1.000000e+09 : f32
    %broadcast_in_dim3A_13 = vector.broadcast %broadcast_in_dim3A_12 : f32 to vector<16xf32>
    %broadcast_in_dim3A_14 = arith.constant -1.000000e+09 : f32
    %broadcast_in_dim3A_15 = vector.broadcast %broadcast_in_dim3A_14 : f32 to vector<16xf32>
    %broadcast_in_dim3A_16 = arith.constant -1.000000e+09 : f32
    %broadcast_in_dim3A_17 = vector.broadcast %broadcast_in_dim3A_16 : f32 to vector<16xf32>
    %broadcast_in_dim3A_18 = arith.constant -1.000000e+09 : f32
    %broadcast_in_dim3A_19 = vector.broadcast %broadcast_in_dim3A_18 : f32 to vector<16xf32>
    %scan3A = arith.constant 0 : i32
    %scan3A_20 = arith.constant 2 : i32
    %scan3A_21 = arith.addi %scan3A, %scan3A_20 : i32
    %scan3A_22 = arith.constant 1 : i32
    %scan3A_23:8 = scf.for %scan3A_143 = %scan3A to %scan3A_21 step %scan3A_22 iter_args(%scan3A_144 = %broadcast_in_dim3A_5, %scan3A_145 = %broadcast_in_dim3A_7, %scan3A_146 = %broadcast_in_dim3A_9, %scan3A_147 = %broadcast_in_dim3A_11, %scan3A_148 = %broadcast_in_dim3A_13, %scan3A_149 = %broadcast_in_dim3A_15, %scan3A_150 = %broadcast_in_dim3A_17, %scan3A_151 = %broadcast_in_dim3A_19) -> (vector<16xf32>, vector<16xf32>, vector<16xf32>, vector<16xf32>, vector<16xf32>, vector<16xf32>, vector<16xf32>, vector<16xf32>)  : i32 {
      %mul3A_152 = arith.constant 160 : i32
      %mul3A_153 = arith.muli %scan3A_143, %mul3A_152 : i32
      %add3A_154 = arith.addi %add3A_4, %mul3A_153 : i32
      "tpu.region"() ({
        %run_scoped3A_166 = tpu.sem_alloc : memref<!tpu.dma_semaphore, #tpu.memory_space<semaphore_mem>>
        %dma_start3A = arith.constant 0 : i32
        %dma_start3A_167 = tpu.memref_slice %arg2[%add3A_154, %dma_start3A] : memref<100000x128xf32, #tpu.memory_space<hbm>> -> memref<160x128xf32, #tpu.memory_space<hbm>>
        %dma_start3A_168 = arith.constant 0 : i32
        %dma_start3A_169 = tpu.memref_slice %arg2[%add3A_154, %dma_start3A_168] : memref<100000x128xf32, #tpu.memory_space<hbm>> -> memref<160x128xf32, #tpu.memory_space<hbm>>
        tpu.enqueue_dma source(%dma_start3A_169 : memref<160x128xf32, #tpu.memory_space<hbm>>) target(%arg6 : memref<160x128xf32, #tpu.memory_space<vmem>>) target_semaphore(%run_scoped3A_166 : memref<!tpu.dma_semaphore, #tpu.memory_space<semaphore_mem>>)
        %dma_wait3A = arith.constant 0 : i32
        %dma_wait3A_170 = tpu.memref_slice %arg2[%add3A_154, %dma_wait3A] : memref<100000x128xf32, #tpu.memory_space<hbm>> -> memref<160x128xf32, #tpu.memory_space<hbm>>
        %dma_wait3A_171 = arith.constant 0 : i32
        %dma_wait3A_172 = tpu.memref_slice %arg2[%add3A_154, %dma_wait3A_171] : memref<100000x128xf32, #tpu.memory_space<hbm>> -> memref<160x128xf32, #tpu.memory_space<hbm>>
        tpu.wait_dma2 semaphore(%run_scoped3A_166 : memref<!tpu.dma_semaphore, #tpu.memory_space<semaphore_mem>>) src(%dma_wait3A_172 : memref<160x128xf32, #tpu.memory_space<hbm>>) dst(%arg6 : memref<160x128xf32, #tpu.memory_space<vmem>>)
        tpu.yield
      }) : () -> ()
      %mul3A_155 = arith.constant 320 : i32
      %mul3A_156 = arith.muli %add3A, %mul3A_155 : i32
      %mul3A_157 = arith.constant 160 : i32
      %mul3A_158 = arith.muli %scan3A_143, %mul3A_157 : i32
      %add3A_159 = arith.addi %mul3A_156, %mul3A_158 : i32
      "tpu.region"() ({
        %run_scoped3A_166 = tpu.sem_alloc : memref<!tpu.dma_semaphore, #tpu.memory_space<semaphore_mem>>
        %dma_start3A = arith.constant 0 : i32
        %dma_start3A_167 = tpu.memref_slice %arg3[%add3A_159, %dma_start3A] : memref<10240x128xf32, #tpu.memory_space<hbm>> -> memref<160x128xf32, #tpu.memory_space<hbm>>
        %dma_start3A_168 = arith.constant 0 : i32
        %dma_start3A_169 = tpu.memref_slice %arg3[%add3A_159, %dma_start3A_168] : memref<10240x128xf32, #tpu.memory_space<hbm>> -> memref<160x128xf32, #tpu.memory_space<hbm>>
        tpu.enqueue_dma source(%dma_start3A_169 : memref<160x128xf32, #tpu.memory_space<hbm>>) target(%arg7 : memref<160x128xf32, #tpu.memory_space<vmem>>) target_semaphore(%run_scoped3A_166 : memref<!tpu.dma_semaphore, #tpu.memory_space<semaphore_mem>>)
        %dma_wait3A = arith.constant 0 : i32
        %dma_wait3A_170 = tpu.memref_slice %arg3[%add3A_159, %dma_wait3A] : memref<10240x128xf32, #tpu.memory_space<hbm>> -> memref<160x128xf32, #tpu.memory_space<hbm>>
        %dma_wait3A_171 = arith.constant 0 : i32
        %dma_wait3A_172 = tpu.memref_slice %arg3[%add3A_159, %dma_wait3A_171] : memref<10240x128xf32, #tpu.memory_space<hbm>> -> memref<160x128xf32, #tpu.memory_space<hbm>>
        tpu.wait_dma2 semaphore(%run_scoped3A_166 : memref<!tpu.dma_semaphore, #tpu.memory_space<semaphore_mem>>) src(%dma_wait3A_172 : memref<160x128xf32, #tpu.memory_space<hbm>>) dst(%arg7 : memref<160x128xf32, #tpu.memory_space<vmem>>)
        tpu.yield
      }) : () -> ()
      %scan3A_160 = arith.constant 0 : i32
      %scan3A_161 = arith.constant 160 : i32
      %scan3A_162 = arith.addi %scan3A_160, %scan3A_161 : i32
      %scan3A_163 = arith.constant 1 : i32
      %scan3A_164:8 = scf.for %scan3A_166 = %scan3A_160 to %scan3A_162 step %scan3A_163 iter_args(%scan3A_167 = %scan3A_144, %scan3A_168 = %scan3A_145, %scan3A_169 = %scan3A_146, %scan3A_170 = %scan3A_147, %scan3A_171 = %scan3A_148, %scan3A_172 = %scan3A_149, %scan3A_173 = %scan3A_150, %scan3A_174 = %scan3A_151) -> (vector<16xf32>, vector<16xf32>, vector<16xf32>, vector<16xf32>, vector<16xf32>, vector<16xf32>, vector<16xf32>, vector<16xf32>)  : i32 {
        %get3A = arith.index_cast %scan3A_166 : i32 to index
        %get3A_175 = arith.constant 0 : index
        %get3A_176 = tpu.vector_load %arg6[%get3A, %get3A_175] {strides = array<i32>} : memref<160x128xf32, #tpu.memory_space<vmem>>, vector<1x16xf32>,
        %get3A_177 = vector.shape_cast %get3A_176 : vector<1x16xf32> to vector<16xf32>
        %get3A_178 = arith.index_cast %scan3A_166 : i32 to index
        %get3A_179 = arith.constant 0 : index
        %get3A_180 = tpu.vector_load %arg7[%get3A_178, %get3A_179] {strides = array<i32>} : memref<160x128xf32, #tpu.memory_space<vmem>>, vector<1x16xf32>,
        %get3A_181 = vector.shape_cast %get3A_180 : vector<1x16xf32> to vector<16xf32>
        %mul3A_182 = arith.mulf %get3A_177, %get3A_181 : vector<16xf32>
        %sub3A = arith.constant 1.000000e+00 : f32
        %sub3A_183 = vector.broadcast %sub3A : f32 to vector<16xf32>
        %sub3A_184 = arith.subf %get3A_181, %sub3A_183 : vector<16xf32>
        %mul3A_185 = arith.constant 1.000000e+09 : f32
        %mul3A_186 = vector.broadcast %mul3A_185 : f32 to vector<16xf32>
        %mul3A_187 = arith.mulf %sub3A_184, %mul3A_186 : vector<16xf32>
        %add3A_188 = arith.addf %mul3A_182, %mul3A_187 : vector<16xf32>
        %max3A = arith.maximumf %scan3A_167, %add3A_188 : vector<16xf32>
        %get3A_189 = arith.index_cast %scan3A_166 : i32 to index
        %get3A_190 = arith.constant 16 : index
        %get3A_191 = tpu.vector_load %arg6[%get3A_189, %get3A_190] {strides = array<i32>} : memref<160x128xf32, #tpu.memory_space<vmem>>, vector<1x16xf32>,
        %get3A_192 = vector.shape_cast %get3A_191 : vector<1x16xf32> to vector<16xf32>
        %get3A_193 = arith.index_cast %scan3A_166 : i32 to index
        %get3A_194 = arith.constant 16 : index
        %get3A_195 = tpu.vector_load %arg7[%get3A_193, %get3A_194] {strides = array<i32>} : memref<160x128xf32, #tpu.memory_space<vmem>>, vector<1x16xf32>,
        %get3A_196 = vector.shape_cast %get3A_195 : vector<1x16xf32> to vector<16xf32>
        %mul3A_197 = arith.mulf %get3A_192, %get3A_196 : vector<16xf32>
        %sub3A_198 = arith.constant 1.000000e+00 : f32
        %sub3A_199 = vector.broadcast %sub3A_198 : f32 to vector<16xf32>
        %sub3A_200 = arith.subf %get3A_196, %sub3A_199 : vector<16xf32>
        %mul3A_201 = arith.constant 1.000000e+09 : f32
        %mul3A_202 = vector.broadcast %mul3A_201 : f32 to vector<16xf32>
        %mul3A_203 = arith.mulf %sub3A_200, %mul3A_202 : vector<16xf32>
        %add3A_204 = arith.addf %mul3A_197, %mul3A_203 : vector<16xf32>
        %max3A_205 = arith.maximumf %scan3A_168, %add3A_204 : vector<16xf32>
        %get3A_206 = arith.index_cast %scan3A_166 : i32 to index
        %get3A_207 = arith.constant 32 : index
        %get3A_208 = tpu.vector_load %arg6[%get3A_206, %get3A_207] {strides = array<i32>} : memref<160x128xf32, #tpu.memory_space<vmem>>, vector<1x16xf32>,
        %get3A_209 = vector.shape_cast %get3A_208 : vector<1x16xf32> to vector<16xf32>
        %get3A_210 = arith.index_cast %scan3A_166 : i32 to index
        %get3A_211 = arith.constant 32 : index
        %get3A_212 = tpu.vector_load %arg7[%get3A_210, %get3A_211] {strides = array<i32>} : memref<160x128xf32, #tpu.memory_space<vmem>>, vector<1x16xf32>,
        %get3A_213 = vector.shape_cast %get3A_212 : vector<1x16xf32> to vector<16xf32>
        %mul3A_214 = arith.mulf %get3A_209, %get3A_213 : vector<16xf32>
        %sub3A_215 = arith.constant 1.000000e+00 : f32
        %sub3A_216 = vector.broadcast %sub3A_215 : f32 to vector<16xf32>
        %sub3A_217 = arith.subf %get3A_213, %sub3A_216 : vector<16xf32>
        %mul3A_218 = arith.constant 1.000000e+09 : f32
        %mul3A_219 = vector.broadcast %mul3A_218 : f32 to vector<16xf32>
        %mul3A_220 = arith.mulf %sub3A_217, %mul3A_219 : vector<16xf32>
        %add3A_221 = arith.addf %mul3A_214, %mul3A_220 : vector<16xf32>
        %max3A_222 = arith.maximumf %scan3A_169, %add3A_221 : vector<16xf32>
        %get3A_223 = arith.index_cast %scan3A_166 : i32 to index
        %get3A_224 = arith.constant 48 : index
        %get3A_225 = tpu.vector_load %arg6[%get3A_223, %get3A_224] {strides = array<i32>} : memref<160x128xf32, #tpu.memory_space<vmem>>, vector<1x16xf32>,
        %get3A_226 = vector.shape_cast %get3A_225 : vector<1x16xf32> to vector<16xf32>
        %get3A_227 = arith.index_cast %scan3A_166 : i32 to index
        %get3A_228 = arith.constant 48 : index
        %get3A_229 = tpu.vector_load %arg7[%get3A_227, %get3A_228] {strides = array<i32>} : memref<160x128xf32, #tpu.memory_space<vmem>>, vector<1x16xf32>,
        %get3A_230 = vector.shape_cast %get3A_229 : vector<1x16xf32> to vector<16xf32>
        %mul3A_231 = arith.mulf %get3A_226, %get3A_230 : vector<16xf32>
        %sub3A_232 = arith.constant 1.000000e+00 : f32
        %sub3A_233 = vector.broadcast %sub3A_232 : f32 to vector<16xf32>
        %sub3A_234 = arith.subf %get3A_230, %sub3A_233 : vector<16xf32>
        %mul3A_235 = arith.constant 1.000000e+09 : f32
        %mul3A_236 = vector.broadcast %mul3A_235 : f32 to vector<16xf32>
        %mul3A_237 = arith.mulf %sub3A_234, %mul3A_236 : vector<16xf32>
        %add3A_238 = arith.addf %mul3A_231, %mul3A_237 : vector<16xf32>
        %max3A_239 = arith.maximumf %scan3A_170, %add3A_238 : vector<16xf32>
        %get3A_240 = arith.index_cast %scan3A_166 : i32 to index
        %get3A_241 = arith.constant 64 : index
        %get3A_242 = tpu.vector_load %arg6[%get3A_240, %get3A_241] {strides = array<i32>} : memref<160x128xf32, #tpu.memory_space<vmem>>, vector<1x16xf32>,
        %get3A_243 = vector.shape_cast %get3A_242 : vector<1x16xf32> to vector<16xf32>
        %get3A_244 = arith.index_cast %scan3A_166 : i32 to index
        %get3A_245 = arith.constant 64 : index
        %get3A_246 = tpu.vector_load %arg7[%get3A_244, %get3A_245] {strides = array<i32>} : memref<160x128xf32, #tpu.memory_space<vmem>>, vector<1x16xf32>,
        %get3A_247 = vector.shape_cast %get3A_246 : vector<1x16xf32> to vector<16xf32>
        %mul3A_248 = arith.mulf %get3A_243, %get3A_247 : vector<16xf32>
        %sub3A_249 = arith.constant 1.000000e+00 : f32
        %sub3A_250 = vector.broadcast %sub3A_249 : f32 to vector<16xf32>
        %sub3A_251 = arith.subf %get3A_247, %sub3A_250 : vector<16xf32>
        %mul3A_252 = arith.constant 1.000000e+09 : f32
        %mul3A_253 = vector.broadcast %mul3A_252 : f32 to vector<16xf32>
        %mul3A_254 = arith.mulf %sub3A_251, %mul3A_253 : vector<16xf32>
        %add3A_255 = arith.addf %mul3A_248, %mul3A_254 : vector<16xf32>
        %max3A_256 = arith.maximumf %scan3A_171, %add3A_255 : vector<16xf32>
        %get3A_257 = arith.index_cast %scan3A_166 : i32 to index
        %get3A_258 = arith.constant 80 : index
        %get3A_259 = tpu.vector_load %arg6[%get3A_257, %get3A_258] {strides = array<i32>} : memref<160x128xf32, #tpu.memory_space<vmem>>, vector<1x16xf32>,
        %get3A_260 = vector.shape_cast %get3A_259 : vector<1x16xf32> to vector<16xf32>
        %get3A_261 = arith.index_cast %scan3A_166 : i32 to index
        %get3A_262 = arith.constant 80 : index
        %get3A_263 = tpu.vector_load %arg7[%get3A_261, %get3A_262] {strides = array<i32>} : memref<160x128xf32, #tpu.memory_space<vmem>>, vector<1x16xf32>,
        %get3A_264 = vector.shape_cast %get3A_263 : vector<1x16xf32> to vector<16xf32>
        %mul3A_265 = arith.mulf %get3A_260, %get3A_264 : vector<16xf32>
        %sub3A_266 = arith.constant 1.000000e+00 : f32
        %sub3A_267 = vector.broadcast %sub3A_266 : f32 to vector<16xf32>
        %sub3A_268 = arith.subf %get3A_264, %sub3A_267 : vector<16xf32>
        %mul3A_269 = arith.constant 1.000000e+09 : f32
        %mul3A_270 = vector.broadcast %mul3A_269 : f32 to vector<16xf32>
        %mul3A_271 = arith.mulf %sub3A_268, %mul3A_270 : vector<16xf32>
        %add3A_272 = arith.addf %mul3A_265, %mul3A_271 : vector<16xf32>
        %max3A_273 = arith.maximumf %scan3A_172, %add3A_272 : vector<16xf32>
        %get3A_274 = arith.index_cast %scan3A_166 : i32 to index
        %get3A_275 = arith.constant 96 : index
        %get3A_276 = tpu.vector_load %arg6[%get3A_274, %get3A_275] {strides = array<i32>} : memref<160x128xf32, #tpu.memory_space<vmem>>, vector<1x16xf32>,
        %get3A_277 = vector.shape_cast %get3A_276 : vector<1x16xf32> to vector<16xf32>
        %get3A_278 = arith.index_cast %scan3A_166 : i32 to index
        %get3A_279 = arith.constant 96 : index
        %get3A_280 = tpu.vector_load %arg7[%get3A_278, %get3A_279] {strides = array<i32>} : memref<160x128xf32, #tpu.memory_space<vmem>>, vector<1x16xf32>,
        %get3A_281 = vector.shape_cast %get3A_280 : vector<1x16xf32> to vector<16xf32>
        %mul3A_282 = arith.mulf %get3A_277, %get3A_281 : vector<16xf32>
        %sub3A_283 = arith.constant 1.000000e+00 : f32
        %sub3A_284 = vector.broadcast %sub3A_283 : f32 to vector<16xf32>
        %sub3A_285 = arith.subf %get3A_281, %sub3A_284 : vector<16xf32>
        %mul3A_286 = arith.constant 1.000000e+09 : f32
        %mul3A_287 = vector.broadcast %mul3A_286 : f32 to vector<16xf32>
        %mul3A_288 = arith.mulf %sub3A_285, %mul3A_287 : vector<16xf32>
        %add3A_289 = arith.addf %mul3A_282, %mul3A_288 : vector<16xf32>
        %max3A_290 = arith.maximumf %scan3A_173, %add3A_289 : vector<16xf32>
        %get3A_291 = arith.index_cast %scan3A_166 : i32 to index
        %get3A_292 = arith.constant 112 : index
        %get3A_293 = tpu.vector_load %arg6[%get3A_291, %get3A_292] {strides = array<i32>} : memref<160x128xf32, #tpu.memory_space<vmem>>, vector<1x16xf32>,
        %get3A_294 = vector.shape_cast %get3A_293 : vector<1x16xf32> to vector<16xf32>
        %get3A_295 = arith.index_cast %scan3A_166 : i32 to index
        %get3A_296 = arith.constant 112 : index
        %get3A_297 = tpu.vector_load %arg7[%get3A_295, %get3A_296] {strides = array<i32>} : memref<160x128xf32, #tpu.memory_space<vmem>>, vector<1x16xf32>,
        %get3A_298 = vector.shape_cast %get3A_297 : vector<1x16xf32> to vector<16xf32>
        %mul3A_299 = arith.mulf %get3A_294, %get3A_298 : vector<16xf32>
        %sub3A_300 = arith.constant 1.000000e+00 : f32
        %sub3A_301 = vector.broadcast %sub3A_300 : f32 to vector<16xf32>
        %sub3A_302 = arith.subf %get3A_298, %sub3A_301 : vector<16xf32>
        %mul3A_303 = arith.constant 1.000000e+09 : f32
        %mul3A_304 = vector.broadcast %mul3A_303 : f32 to vector<16xf32>
        %mul3A_305 = arith.mulf %sub3A_302, %mul3A_304 : vector<16xf32>
        %add3A_306 = arith.addf %mul3A_299, %mul3A_305 : vector<16xf32>
        %max3A_307 = arith.maximumf %scan3A_174, %add3A_306 : vector<16xf32>
        scf.yield %max3A, %max3A_205, %max3A_222, %max3A_239, %max3A_256, %max3A_273, %max3A_290, %max3A_307 : vector<16xf32>, vector<16xf32>, vector<16xf32>, vector<16xf32>, vector<16xf32>, vector<16xf32>, vector<16xf32>, vector<16xf32>
      }
      %scan3A_165 = arith.constant 160 : i32
      scf.yield %scan3A_164#0, %scan3A_164#1, %scan3A_164#2, %scan3A_164#3, %scan3A_164#4, %scan3A_164#5, %scan3A_164#6, %scan3A_164#7 : vector<16xf32>, vector<16xf32>, vector<16xf32>, vector<16xf32>, vector<16xf32>, vector<16xf32>, vector<16xf32>, vector<16xf32>
    }
    %scan3A_24 = arith.constant 2 : i32
    %broadcast_in_dim3A_25 = arith.constant 0.000000e+00 : f32
    %broadcast_in_dim3A_26 = vector.broadcast %broadcast_in_dim3A_25 : f32 to vector<16xf32>
    %broadcast_in_dim3A_27 = arith.constant 0.000000e+00 : f32
    %broadcast_in_dim3A_28 = vector.broadcast %broadcast_in_dim3A_27 : f32 to vector<16xf32>
    %broadcast_in_dim3A_29 = arith.constant 0.000000e+00 : f32
    %broadcast_in_dim3A_30 = vector.broadcast %broadcast_in_dim3A_29 : f32 to vector<16xf32>
    %broadcast_in_dim3A_31 = arith.constant 0.000000e+00 : f32
    %broadcast_in_dim3A_32 = vector.broadcast %broadcast_in_dim3A_31 : f32 to vector<16xf32>
    %broadcast_in_dim3A_33 = arith.constant 0.000000e+00 : f32
    %broadcast_in_dim3A_34 = vector.broadcast %broadcast_in_dim3A_33 : f32 to vector<16xf32>
    %broadcast_in_dim3A_35 = arith.constant 0.000000e+00 : f32
    %broadcast_in_dim3A_36 = vector.broadcast %broadcast_in_dim3A_35 : f32 to vector<16xf32>
    %broadcast_in_dim3A_37 = arith.constant 0.000000e+00 : f32
    %broadcast_in_dim3A_38 = vector.broadcast %broadcast_in_dim3A_37 : f32 to vector<16xf32>
    %broadcast_in_dim3A_39 = arith.constant 0.000000e+00 : f32
    %broadcast_in_dim3A_40 = vector.broadcast %broadcast_in_dim3A_39 : f32 to vector<16xf32>
    %scan3A_41 = arith.constant 0 : i32
    %scan3A_42 = arith.constant 2 : i32
    %scan3A_43 = arith.addi %scan3A_41, %scan3A_42 : i32
    %scan3A_44 = arith.constant 1 : i32
    %scan3A_45:8 = scf.for %scan3A_143 = %scan3A_41 to %scan3A_43 step %scan3A_44 iter_args(%scan3A_144 = %broadcast_in_dim3A_26, %scan3A_145 = %broadcast_in_dim3A_28, %scan3A_146 = %broadcast_in_dim3A_30, %scan3A_147 = %broadcast_in_dim3A_32, %scan3A_148 = %broadcast_in_dim3A_34, %scan3A_149 = %broadcast_in_dim3A_36, %scan3A_150 = %broadcast_in_dim3A_38, %scan3A_151 = %broadcast_in_dim3A_40) -> (vector<16xf32>, vector<16xf32>, vector<16xf32>, vector<16xf32>, vector<16xf32>, vector<16xf32>, vector<16xf32>, vector<16xf32>)  : i32 {
      %mul3A_152 = arith.constant 160 : i32
      %mul3A_153 = arith.muli %scan3A_143, %mul3A_152 : i32
      %add3A_154 = arith.addi %add3A_4, %mul3A_153 : i32
      "tpu.region"() ({
        %run_scoped3A_166 = tpu.sem_alloc : memref<!tpu.dma_semaphore, #tpu.memory_space<semaphore_mem>>
        %dma_start3A = arith.constant 0 : i32
        %dma_start3A_167 = tpu.memref_slice %arg2[%add3A_154, %dma_start3A] : memref<100000x128xf32, #tpu.memory_space<hbm>> -> memref<160x128xf32, #tpu.memory_space<hbm>>
        %dma_start3A_168 = arith.constant 0 : i32
        %dma_start3A_169 = tpu.memref_slice %arg2[%add3A_154, %dma_start3A_168] : memref<100000x128xf32, #tpu.memory_space<hbm>> -> memref<160x128xf32, #tpu.memory_space<hbm>>
        tpu.enqueue_dma source(%dma_start3A_169 : memref<160x128xf32, #tpu.memory_space<hbm>>) target(%arg6 : memref<160x128xf32, #tpu.memory_space<vmem>>) target_semaphore(%run_scoped3A_166 : memref<!tpu.dma_semaphore, #tpu.memory_space<semaphore_mem>>)
        %dma_wait3A = arith.constant 0 : i32
        %dma_wait3A_170 = tpu.memref_slice %arg2[%add3A_154, %dma_wait3A] : memref<100000x128xf32, #tpu.memory_space<hbm>> -> memref<160x128xf32, #tpu.memory_space<hbm>>
        %dma_wait3A_171 = arith.constant 0 : i32
        %dma_wait3A_172 = tpu.memref_slice %arg2[%add3A_154, %dma_wait3A_171] : memref<100000x128xf32, #tpu.memory_space<hbm>> -> memref<160x128xf32, #tpu.memory_space<hbm>>
        tpu.wait_dma2 semaphore(%run_scoped3A_166 : memref<!tpu.dma_semaphore, #tpu.memory_space<semaphore_mem>>) src(%dma_wait3A_172 : memref<160x128xf32, #tpu.memory_space<hbm>>) dst(%arg6 : memref<160x128xf32, #tpu.memory_space<vmem>>)
        tpu.yield
      }) : () -> ()
      %mul3A_155 = arith.constant 320 : i32
      %mul3A_156 = arith.muli %add3A, %mul3A_155 : i32
      %mul3A_157 = arith.constant 160 : i32
      %mul3A_158 = arith.muli %scan3A_143, %mul3A_157 : i32
      %add3A_159 = arith.addi %mul3A_156, %mul3A_158 : i32
      "tpu.region"() ({
        %run_scoped3A_166 = tpu.sem_alloc : memref<!tpu.dma_semaphore, #tpu.memory_space<semaphore_mem>>
        %dma_start3A = arith.constant 0 : i32
        %dma_start3A_167 = tpu.memref_slice %arg3[%add3A_159, %dma_start3A] : memref<10240x128xf32, #tpu.memory_space<hbm>> -> memref<160x128xf32, #tpu.memory_space<hbm>>
        %dma_start3A_168 = arith.constant 0 : i32
        %dma_start3A_169 = tpu.memref_slice %arg3[%add3A_159, %dma_start3A_168] : memref<10240x128xf32, #tpu.memory_space<hbm>> -> memref<160x128xf32, #tpu.memory_space<hbm>>
        tpu.enqueue_dma source(%dma_start3A_169 : memref<160x128xf32, #tpu.memory_space<hbm>>) target(%arg7 : memref<160x128xf32, #tpu.memory_space<vmem>>) target_semaphore(%run_scoped3A_166 : memref<!tpu.dma_semaphore, #tpu.memory_space<semaphore_mem>>)
        %dma_wait3A = arith.constant 0 : i32
        %dma_wait3A_170 = tpu.memref_slice %arg3[%add3A_159, %dma_wait3A] : memref<10240x128xf32, #tpu.memory_space<hbm>> -> memref<160x128xf32, #tpu.memory_space<hbm>>
        %dma_wait3A_171 = arith.constant 0 : i32
        %dma_wait3A_172 = tpu.memref_slice %arg3[%add3A_159, %dma_wait3A_171] : memref<10240x128xf32, #tpu.memory_space<hbm>> -> memref<160x128xf32, #tpu.memory_space<hbm>>
        tpu.wait_dma2 semaphore(%run_scoped3A_166 : memref<!tpu.dma_semaphore, #tpu.memory_space<semaphore_mem>>) src(%dma_wait3A_172 : memref<160x128xf32, #tpu.memory_space<hbm>>) dst(%arg7 : memref<160x128xf32, #tpu.memory_space<vmem>>)
        tpu.yield
      }) : () -> ()
      %scan3A_160 = arith.constant 0 : i32
      %scan3A_161 = arith.constant 160 : i32
      %scan3A_162 = arith.addi %scan3A_160, %scan3A_161 : i32
      %scan3A_163 = arith.constant 1 : i32
      %scan3A_164:8 = scf.for %scan3A_166 = %scan3A_160 to %scan3A_162 step %scan3A_163 iter_args(%scan3A_167 = %scan3A_144, %scan3A_168 = %scan3A_145, %scan3A_169 = %scan3A_146, %scan3A_170 = %scan3A_147, %scan3A_171 = %scan3A_148, %scan3A_172 = %scan3A_149, %scan3A_173 = %scan3A_150, %scan3A_174 = %scan3A_151) -> (vector<16xf32>, vector<16xf32>, vector<16xf32>, vector<16xf32>, vector<16xf32>, vector<16xf32>, vector<16xf32>, vector<16xf32>)  : i32 {
        %get3A = arith.index_cast %scan3A_166 : i32 to index
        %get3A_175 = arith.constant 0 : index
        %get3A_176 = tpu.vector_load %arg6[%get3A, %get3A_175] {strides = array<i32>} : memref<160x128xf32, #tpu.memory_space<vmem>>, vector<1x16xf32>,
        %get3A_177 = vector.shape_cast %get3A_176 : vector<1x16xf32> to vector<16xf32>
        %get3A_178 = arith.index_cast %scan3A_166 : i32 to index
        %get3A_179 = arith.constant 0 : index
        %get3A_180 = tpu.vector_load %arg7[%get3A_178, %get3A_179] {strides = array<i32>} : memref<160x128xf32, #tpu.memory_space<vmem>>, vector<1x16xf32>,
        %get3A_181 = vector.shape_cast %get3A_180 : vector<1x16xf32> to vector<16xf32>
        %mul3A_182 = arith.mulf %get3A_177, %get3A_181 : vector<16xf32>
        %sub3A = arith.constant 1.000000e+00 : f32
        %sub3A_183 = vector.broadcast %sub3A : f32 to vector<16xf32>
        %sub3A_184 = arith.subf %get3A_181, %sub3A_183 : vector<16xf32>
        %mul3A_185 = arith.constant 1.000000e+09 : f32
        %mul3A_186 = vector.broadcast %mul3A_185 : f32 to vector<16xf32>
        %mul3A_187 = arith.mulf %sub3A_184, %mul3A_186 : vector<16xf32>
        %add3A_188 = arith.addf %mul3A_182, %mul3A_187 : vector<16xf32>
        %sub3A_189 = arith.subf %add3A_188, %scan3A_23#0 : vector<16xf32>
        %exp3A = math.exp %sub3A_189 : vector<16xf32>
        %add3A_190 = arith.addf %scan3A_167, %exp3A : vector<16xf32>
        %get3A_191 = arith.index_cast %scan3A_166 : i32 to index
        %get3A_192 = arith.constant 16 : index
        %get3A_193 = tpu.vector_load %arg6[%get3A_191, %get3A_192] {strides = array<i32>} : memref<160x128xf32, #tpu.memory_space<vmem>>, vector<1x16xf32>,
        %get3A_194 = vector.shape_cast %get3A_193 : vector<1x16xf32> to vector<16xf32>
        %get3A_195 = arith.index_cast %scan3A_166 : i32 to index
        %get3A_196 = arith.constant 16 : index
        %get3A_197 = tpu.vector_load %arg7[%get3A_195, %get3A_196] {strides = array<i32>} : memref<160x128xf32, #tpu.memory_space<vmem>>, vector<1x16xf32>,
        %get3A_198 = vector.shape_cast %get3A_197 : vector<1x16xf32> to vector<16xf32>
        %mul3A_199 = arith.mulf %get3A_194, %get3A_198 : vector<16xf32>
        %sub3A_200 = arith.constant 1.000000e+00 : f32
        %sub3A_201 = vector.broadcast %sub3A_200 : f32 to vector<16xf32>
        %sub3A_202 = arith.subf %get3A_198, %sub3A_201 : vector<16xf32>
        %mul3A_203 = arith.constant 1.000000e+09 : f32
        %mul3A_204 = vector.broadcast %mul3A_203 : f32 to vector<16xf32>
        %mul3A_205 = arith.mulf %sub3A_202, %mul3A_204 : vector<16xf32>
        %add3A_206 = arith.addf %mul3A_199, %mul3A_205 : vector<16xf32>
        %sub3A_207 = arith.subf %add3A_206, %scan3A_23#1 : vector<16xf32>
        %exp3A_208 = math.exp %sub3A_207 : vector<16xf32>
        %add3A_209 = arith.addf %scan3A_168, %exp3A_208 : vector<16xf32>
        %get3A_210 = arith.index_cast %scan3A_166 : i32 to index
        %get3A_211 = arith.constant 32 : index
        %get3A_212 = tpu.vector_load %arg6[%get3A_210, %get3A_211] {strides = array<i32>} : memref<160x128xf32, #tpu.memory_space<vmem>>, vector<1x16xf32>,
        %get3A_213 = vector.shape_cast %get3A_212 : vector<1x16xf32> to vector<16xf32>
        %get3A_214 = arith.index_cast %scan3A_166 : i32 to index
        %get3A_215 = arith.constant 32 : index
        %get3A_216 = tpu.vector_load %arg7[%get3A_214, %get3A_215] {strides = array<i32>} : memref<160x128xf32, #tpu.memory_space<vmem>>, vector<1x16xf32>,
        %get3A_217 = vector.shape_cast %get3A_216 : vector<1x16xf32> to vector<16xf32>
        %mul3A_218 = arith.mulf %get3A_213, %get3A_217 : vector<16xf32>
        %sub3A_219 = arith.constant 1.000000e+00 : f32
        %sub3A_220 = vector.broadcast %sub3A_219 : f32 to vector<16xf32>
        %sub3A_221 = arith.subf %get3A_217, %sub3A_220 : vector<16xf32>
        %mul3A_222 = arith.constant 1.000000e+09 : f32
        %mul3A_223 = vector.broadcast %mul3A_222 : f32 to vector<16xf32>
        %mul3A_224 = arith.mulf %sub3A_221, %mul3A_223 : vector<16xf32>
        %add3A_225 = arith.addf %mul3A_218, %mul3A_224 : vector<16xf32>
        %sub3A_226 = arith.subf %add3A_225, %scan3A_23#2 : vector<16xf32>
        %exp3A_227 = math.exp %sub3A_226 : vector<16xf32>
        %add3A_228 = arith.addf %scan3A_169, %exp3A_227 : vector<16xf32>
        %get3A_229 = arith.index_cast %scan3A_166 : i32 to index
        %get3A_230 = arith.constant 48 : index
        %get3A_231 = tpu.vector_load %arg6[%get3A_229, %get3A_230] {strides = array<i32>} : memref<160x128xf32, #tpu.memory_space<vmem>>, vector<1x16xf32>,
        %get3A_232 = vector.shape_cast %get3A_231 : vector<1x16xf32> to vector<16xf32>
        %get3A_233 = arith.index_cast %scan3A_166 : i32 to index
        %get3A_234 = arith.constant 48 : index
        %get3A_235 = tpu.vector_load %arg7[%get3A_233, %get3A_234] {strides = array<i32>} : memref<160x128xf32, #tpu.memory_space<vmem>>, vector<1x16xf32>,
        %get3A_236 = vector.shape_cast %get3A_235 : vector<1x16xf32> to vector<16xf32>
        %mul3A_237 = arith.mulf %get3A_232, %get3A_236 : vector<16xf32>
        %sub3A_238 = arith.constant 1.000000e+00 : f32
        %sub3A_239 = vector.broadcast %sub3A_238 : f32 to vector<16xf32>
        %sub3A_240 = arith.subf %get3A_236, %sub3A_239 : vector<16xf32>
        %mul3A_241 = arith.constant 1.000000e+09 : f32
        %mul3A_242 = vector.broadcast %mul3A_241 : f32 to vector<16xf32>
        %mul3A_243 = arith.mulf %sub3A_240, %mul3A_242 : vector<16xf32>
        %add3A_244 = arith.addf %mul3A_237, %mul3A_243 : vector<16xf32>
        %sub3A_245 = arith.subf %add3A_244, %scan3A_23#3 : vector<16xf32>
        %exp3A_246 = math.exp %sub3A_245 : vector<16xf32>
        %add3A_247 = arith.addf %scan3A_170, %exp3A_246 : vector<16xf32>
        %get3A_248 = arith.index_cast %scan3A_166 : i32 to index
        %get3A_249 = arith.constant 64 : index
        %get3A_250 = tpu.vector_load %arg6[%get3A_248, %get3A_249] {strides = array<i32>} : memref<160x128xf32, #tpu.memory_space<vmem>>, vector<1x16xf32>,
        %get3A_251 = vector.shape_cast %get3A_250 : vector<1x16xf32> to vector<16xf32>
        %get3A_252 = arith.index_cast %scan3A_166 : i32 to index
        %get3A_253 = arith.constant 64 : index
        %get3A_254 = tpu.vector_load %arg7[%get3A_252, %get3A_253] {strides = array<i32>} : memref<160x128xf32, #tpu.memory_space<vmem>>, vector<1x16xf32>,
        %get3A_255 = vector.shape_cast %get3A_254 : vector<1x16xf32> to vector<16xf32>
        %mul3A_256 = arith.mulf %get3A_251, %get3A_255 : vector<16xf32>
        %sub3A_257 = arith.constant 1.000000e+00 : f32
        %sub3A_258 = vector.broadcast %sub3A_257 : f32 to vector<16xf32>
        %sub3A_259 = arith.subf %get3A_255, %sub3A_258 : vector<16xf32>
        %mul3A_260 = arith.constant 1.000000e+09 : f32
        %mul3A_261 = vector.broadcast %mul3A_260 : f32 to vector<16xf32>
        %mul3A_262 = arith.mulf %sub3A_259, %mul3A_261 : vector<16xf32>
        %add3A_263 = arith.addf %mul3A_256, %mul3A_262 : vector<16xf32>
        %sub3A_264 = arith.subf %add3A_263, %scan3A_23#4 : vector<16xf32>
        %exp3A_265 = math.exp %sub3A_264 : vector<16xf32>
        %add3A_266 = arith.addf %scan3A_171, %exp3A_265 : vector<16xf32>
        %get3A_267 = arith.index_cast %scan3A_166 : i32 to index
        %get3A_268 = arith.constant 80 : index
        %get3A_269 = tpu.vector_load %arg6[%get3A_267, %get3A_268] {strides = array<i32>} : memref<160x128xf32, #tpu.memory_space<vmem>>, vector<1x16xf32>,
        %get3A_270 = vector.shape_cast %get3A_269 : vector<1x16xf32> to vector<16xf32>
        %get3A_271 = arith.index_cast %scan3A_166 : i32 to index
        %get3A_272 = arith.constant 80 : index
        %get3A_273 = tpu.vector_load %arg7[%get3A_271, %get3A_272] {strides = array<i32>} : memref<160x128xf32, #tpu.memory_space<vmem>>, vector<1x16xf32>,
        %get3A_274 = vector.shape_cast %get3A_273 : vector<1x16xf32> to vector<16xf32>
        %mul3A_275 = arith.mulf %get3A_270, %get3A_274 : vector<16xf32>
        %sub3A_276 = arith.constant 1.000000e+00 : f32
        %sub3A_277 = vector.broadcast %sub3A_276 : f32 to vector<16xf32>
        %sub3A_278 = arith.subf %get3A_274, %sub3A_277 : vector<16xf32>
        %mul3A_279 = arith.constant 1.000000e+09 : f32
        %mul3A_280 = vector.broadcast %mul3A_279 : f32 to vector<16xf32>
        %mul3A_281 = arith.mulf %sub3A_278, %mul3A_280 : vector<16xf32>
        %add3A_282 = arith.addf %mul3A_275, %mul3A_281 : vector<16xf32>
        %sub3A_283 = arith.subf %add3A_282, %scan3A_23#5 : vector<16xf32>
        %exp3A_284 = math.exp %sub3A_283 : vector<16xf32>
        %add3A_285 = arith.addf %scan3A_172, %exp3A_284 : vector<16xf32>
        %get3A_286 = arith.index_cast %scan3A_166 : i32 to index
        %get3A_287 = arith.constant 96 : index
        %get3A_288 = tpu.vector_load %arg6[%get3A_286, %get3A_287] {strides = array<i32>} : memref<160x128xf32, #tpu.memory_space<vmem>>, vector<1x16xf32>,
        %get3A_289 = vector.shape_cast %get3A_288 : vector<1x16xf32> to vector<16xf32>
        %get3A_290 = arith.index_cast %scan3A_166 : i32 to index
        %get3A_291 = arith.constant 96 : index
        %get3A_292 = tpu.vector_load %arg7[%get3A_290, %get3A_291] {strides = array<i32>} : memref<160x128xf32, #tpu.memory_space<vmem>>, vector<1x16xf32>,
        %get3A_293 = vector.shape_cast %get3A_292 : vector<1x16xf32> to vector<16xf32>
        %mul3A_294 = arith.mulf %get3A_289, %get3A_293 : vector<16xf32>
        %sub3A_295 = arith.constant 1.000000e+00 : f32
        %sub3A_296 = vector.broadcast %sub3A_295 : f32 to vector<16xf32>
        %sub3A_297 = arith.subf %get3A_293, %sub3A_296 : vector<16xf32>
        %mul3A_298 = arith.constant 1.000000e+09 : f32
        %mul3A_299 = vector.broadcast %mul3A_298 : f32 to vector<16xf32>
        %mul3A_300 = arith.mulf %sub3A_297, %mul3A_299 : vector<16xf32>
        %add3A_301 = arith.addf %mul3A_294, %mul3A_300 : vector<16xf32>
        %sub3A_302 = arith.subf %add3A_301, %scan3A_23#6 : vector<16xf32>
        %exp3A_303 = math.exp %sub3A_302 : vector<16xf32>
        %add3A_304 = arith.addf %scan3A_173, %exp3A_303 : vector<16xf32>
        %get3A_305 = arith.index_cast %scan3A_166 : i32 to index
        %get3A_306 = arith.constant 112 : index
        %get3A_307 = tpu.vector_load %arg6[%get3A_305, %get3A_306] {strides = array<i32>} : memref<160x128xf32, #tpu.memory_space<vmem>>, vector<1x16xf32>,
        %get3A_308 = vector.shape_cast %get3A_307 : vector<1x16xf32> to vector<16xf32>
        %get3A_309 = arith.index_cast %scan3A_166 : i32 to index
        %get3A_310 = arith.constant 112 : index
        %get3A_311 = tpu.vector_load %arg7[%get3A_309, %get3A_310] {strides = array<i32>} : memref<160x128xf32, #tpu.memory_space<vmem>>, vector<1x16xf32>,
        %get3A_312 = vector.shape_cast %get3A_311 : vector<1x16xf32> to vector<16xf32>
        %mul3A_313 = arith.mulf %get3A_308, %get3A_312 : vector<16xf32>
        %sub3A_314 = arith.constant 1.000000e+00 : f32
        %sub3A_315 = vector.broadcast %sub3A_314 : f32 to vector<16xf32>
        %sub3A_316 = arith.subf %get3A_312, %sub3A_315 : vector<16xf32>
        %mul3A_317 = arith.constant 1.000000e+09 : f32
        %mul3A_318 = vector.broadcast %mul3A_317 : f32 to vector<16xf32>
        %mul3A_319 = arith.mulf %sub3A_316, %mul3A_318 : vector<16xf32>
        %add3A_320 = arith.addf %mul3A_313, %mul3A_319 : vector<16xf32>
        %sub3A_321 = arith.subf %add3A_320, %scan3A_23#7 : vector<16xf32>
        %exp3A_322 = math.exp %sub3A_321 : vector<16xf32>
        %add3A_323 = arith.addf %scan3A_174, %exp3A_322 : vector<16xf32>
        scf.yield %add3A_190, %add3A_209, %add3A_228, %add3A_247, %add3A_266, %add3A_285, %add3A_304, %add3A_323 : vector<16xf32>, vector<16xf32>, vector<16xf32>, vector<16xf32>, vector<16xf32>, vector<16xf32>, vector<16xf32>, vector<16xf32>
      }
      %scan3A_165 = arith.constant 160 : i32
      scf.yield %scan3A_164#0, %scan3A_164#1, %scan3A_164#2, %scan3A_164#3, %scan3A_164#4, %scan3A_164#5, %scan3A_164#6, %scan3A_164#7 : vector<16xf32>, vector<16xf32>, vector<16xf32>, vector<16xf32>, vector<16xf32>, vector<16xf32>, vector<16xf32>, vector<16xf32>
    }
    %scan3A_46 = arith.constant 2 : i32
    %swap3A = arith.constant 0 : i32
    %swap3A_47 = arith.index_cast %swap3A : i32 to index
    %swap3A_48 = arith.constant 0 : index
    %swap3A_49 = tpu.vector_load %arg8[%swap3A_47, %swap3A_48] {strides = array<i32>} : memref<2x128xf32, #tpu.memory_space<vmem>>, vector<1x16xf32>,
    %swap3A_50 = vector.shape_cast %swap3A_49 : vector<1x16xf32> to vector<16xf32>
    %swap3A_51 = vector.shape_cast %scan3A_23#0 : vector<16xf32> to vector<1x16xf32>
    tpu.vector_store %arg8[%swap3A_47, %swap3A_48], %swap3A_51 {strides = array<i32>} : memref<2x128xf32, #tpu.memory_space<vmem>>, vector<1x16xf32>,
    %swap3A_52 = arith.constant 1 : i32
    %swap3A_53 = arith.index_cast %swap3A_52 : i32 to index
    %swap3A_54 = arith.constant 0 : index
    %swap3A_55 = tpu.vector_load %arg8[%swap3A_53, %swap3A_54] {strides = array<i32>} : memref<2x128xf32, #tpu.memory_space<vmem>>, vector<1x16xf32>,
    %swap3A_56 = vector.shape_cast %swap3A_55 : vector<1x16xf32> to vector<16xf32>
    %swap3A_57 = vector.shape_cast %scan3A_45#0 : vector<16xf32> to vector<1x16xf32>
    tpu.vector_store %arg8[%swap3A_53, %swap3A_54], %swap3A_57 {strides = array<i32>} : memref<2x128xf32, #tpu.memory_space<vmem>>, vector<1x16xf32>,
    %swap3A_58 = arith.constant 0 : i32
    %swap3A_59 = arith.index_cast %swap3A_58 : i32 to index
    %swap3A_60 = arith.constant 16 : index
    %swap3A_61 = tpu.vector_load %arg8[%swap3A_59, %swap3A_60] {strides = array<i32>} : memref<2x128xf32, #tpu.memory_space<vmem>>, vector<1x16xf32>,
    %swap3A_62 = vector.shape_cast %swap3A_61 : vector<1x16xf32> to vector<16xf32>
    %swap3A_63 = vector.shape_cast %scan3A_23#1 : vector<16xf32> to vector<1x16xf32>
    tpu.vector_store %arg8[%swap3A_59, %swap3A_60], %swap3A_63 {strides = array<i32>} : memref<2x128xf32, #tpu.memory_space<vmem>>, vector<1x16xf32>,
    %swap3A_64 = arith.constant 1 : i32
    %swap3A_65 = arith.index_cast %swap3A_64 : i32 to index
    %swap3A_66 = arith.constant 16 : index
    %swap3A_67 = tpu.vector_load %arg8[%swap3A_65, %swap3A_66] {strides = array<i32>} : memref<2x128xf32, #tpu.memory_space<vmem>>, vector<1x16xf32>,
    %swap3A_68 = vector.shape_cast %swap3A_67 : vector<1x16xf32> to vector<16xf32>
    %swap3A_69 = vector.shape_cast %scan3A_45#1 : vector<16xf32> to vector<1x16xf32>
    tpu.vector_store %arg8[%swap3A_65, %swap3A_66], %swap3A_69 {strides = array<i32>} : memref<2x128xf32, #tpu.memory_space<vmem>>, vector<1x16xf32>,
    %swap3A_70 = arith.constant 0 : i32
    %swap3A_71 = arith.index_cast %swap3A_70 : i32 to index
    %swap3A_72 = arith.constant 32 : index
    %swap3A_73 = tpu.vector_load %arg8[%swap3A_71, %swap3A_72] {strides = array<i32>} : memref<2x128xf32, #tpu.memory_space<vmem>>, vector<1x16xf32>,
    %swap3A_74 = vector.shape_cast %swap3A_73 : vector<1x16xf32> to vector<16xf32>
    %swap3A_75 = vector.shape_cast %scan3A_23#2 : vector<16xf32> to vector<1x16xf32>
    tpu.vector_store %arg8[%swap3A_71, %swap3A_72], %swap3A_75 {strides = array<i32>} : memref<2x128xf32, #tpu.memory_space<vmem>>, vector<1x16xf32>,
    %swap3A_76 = arith.constant 1 : i32
    %swap3A_77 = arith.index_cast %swap3A_76 : i32 to index
    %swap3A_78 = arith.constant 32 : index
    %swap3A_79 = tpu.vector_load %arg8[%swap3A_77, %swap3A_78] {strides = array<i32>} : memref<2x128xf32, #tpu.memory_space<vmem>>, vector<1x16xf32>,
    %swap3A_80 = vector.shape_cast %swap3A_79 : vector<1x16xf32> to vector<16xf32>
    %swap3A_81 = vector.shape_cast %scan3A_45#2 : vector<16xf32> to vector<1x16xf32>
    tpu.vector_store %arg8[%swap3A_77, %swap3A_78], %swap3A_81 {strides = array<i32>} : memref<2x128xf32, #tpu.memory_space<vmem>>, vector<1x16xf32>,
    %swap3A_82 = arith.constant 0 : i32
    %swap3A_83 = arith.index_cast %swap3A_82 : i32 to index
    %swap3A_84 = arith.constant 48 : index
    %swap3A_85 = tpu.vector_load %arg8[%swap3A_83, %swap3A_84] {strides = array<i32>} : memref<2x128xf32, #tpu.memory_space<vmem>>, vector<1x16xf32>,
    %swap3A_86 = vector.shape_cast %swap3A_85 : vector<1x16xf32> to vector<16xf32>
    %swap3A_87 = vector.shape_cast %scan3A_23#3 : vector<16xf32> to vector<1x16xf32>
    tpu.vector_store %arg8[%swap3A_83, %swap3A_84], %swap3A_87 {strides = array<i32>} : memref<2x128xf32, #tpu.memory_space<vmem>>, vector<1x16xf32>,
    %swap3A_88 = arith.constant 1 : i32
    %swap3A_89 = arith.index_cast %swap3A_88 : i32 to index
    %swap3A_90 = arith.constant 48 : index
    %swap3A_91 = tpu.vector_load %arg8[%swap3A_89, %swap3A_90] {strides = array<i32>} : memref<2x128xf32, #tpu.memory_space<vmem>>, vector<1x16xf32>,
    %swap3A_92 = vector.shape_cast %swap3A_91 : vector<1x16xf32> to vector<16xf32>
    %swap3A_93 = vector.shape_cast %scan3A_45#3 : vector<16xf32> to vector<1x16xf32>
    tpu.vector_store %arg8[%swap3A_89, %swap3A_90], %swap3A_93 {strides = array<i32>} : memref<2x128xf32, #tpu.memory_space<vmem>>, vector<1x16xf32>,
    %swap3A_94 = arith.constant 0 : i32
    %swap3A_95 = arith.index_cast %swap3A_94 : i32 to index
    %swap3A_96 = arith.constant 64 : index
    %swap3A_97 = tpu.vector_load %arg8[%swap3A_95, %swap3A_96] {strides = array<i32>} : memref<2x128xf32, #tpu.memory_space<vmem>>, vector<1x16xf32>,
    %swap3A_98 = vector.shape_cast %swap3A_97 : vector<1x16xf32> to vector<16xf32>
    %swap3A_99 = vector.shape_cast %scan3A_23#4 : vector<16xf32> to vector<1x16xf32>
    tpu.vector_store %arg8[%swap3A_95, %swap3A_96], %swap3A_99 {strides = array<i32>} : memref<2x128xf32, #tpu.memory_space<vmem>>, vector<1x16xf32>,
    %swap3A_100 = arith.constant 1 : i32
    %swap3A_101 = arith.index_cast %swap3A_100 : i32 to index
    %swap3A_102 = arith.constant 64 : index
    %swap3A_103 = tpu.vector_load %arg8[%swap3A_101, %swap3A_102] {strides = array<i32>} : memref<2x128xf32, #tpu.memory_space<vmem>>, vector<1x16xf32>,
    %swap3A_104 = vector.shape_cast %swap3A_103 : vector<1x16xf32> to vector<16xf32>
    %swap3A_105 = vector.shape_cast %scan3A_45#4 : vector<16xf32> to vector<1x16xf32>
    tpu.vector_store %arg8[%swap3A_101, %swap3A_102], %swap3A_105 {strides = array<i32>} : memref<2x128xf32, #tpu.memory_space<vmem>>, vector<1x16xf32>,
    %swap3A_106 = arith.constant 0 : i32
    %swap3A_107 = arith.index_cast %swap3A_106 : i32 to index
    %swap3A_108 = arith.constant 80 : index
    %swap3A_109 = tpu.vector_load %arg8[%swap3A_107, %swap3A_108] {strides = array<i32>} : memref<2x128xf32, #tpu.memory_space<vmem>>, vector<1x16xf32>,
    %swap3A_110 = vector.shape_cast %swap3A_109 : vector<1x16xf32> to vector<16xf32>
    %swap3A_111 = vector.shape_cast %scan3A_23#5 : vector<16xf32> to vector<1x16xf32>
    tpu.vector_store %arg8[%swap3A_107, %swap3A_108], %swap3A_111 {strides = array<i32>} : memref<2x128xf32, #tpu.memory_space<vmem>>, vector<1x16xf32>,
    %swap3A_112 = arith.constant 1 : i32
    %swap3A_113 = arith.index_cast %swap3A_112 : i32 to index
    %swap3A_114 = arith.constant 80 : index
    %swap3A_115 = tpu.vector_load %arg8[%swap3A_113, %swap3A_114] {strides = array<i32>} : memref<2x128xf32, #tpu.memory_space<vmem>>, vector<1x16xf32>,
    %swap3A_116 = vector.shape_cast %swap3A_115 : vector<1x16xf32> to vector<16xf32>
    %swap3A_117 = vector.shape_cast %scan3A_45#5 : vector<16xf32> to vector<1x16xf32>
    tpu.vector_store %arg8[%swap3A_113, %swap3A_114], %swap3A_117 {strides = array<i32>} : memref<2x128xf32, #tpu.memory_space<vmem>>, vector<1x16xf32>,
    %swap3A_118 = arith.constant 0 : i32
    %swap3A_119 = arith.index_cast %swap3A_118 : i32 to index
    %swap3A_120 = arith.constant 96 : index
    %swap3A_121 = tpu.vector_load %arg8[%swap3A_119, %swap3A_120] {strides = array<i32>} : memref<2x128xf32, #tpu.memory_space<vmem>>, vector<1x16xf32>,
    %swap3A_122 = vector.shape_cast %swap3A_121 : vector<1x16xf32> to vector<16xf32>
    %swap3A_123 = vector.shape_cast %scan3A_23#6 : vector<16xf32> to vector<1x16xf32>
    tpu.vector_store %arg8[%swap3A_119, %swap3A_120], %swap3A_123 {strides = array<i32>} : memref<2x128xf32, #tpu.memory_space<vmem>>, vector<1x16xf32>,
    %swap3A_124 = arith.constant 1 : i32
    %swap3A_125 = arith.index_cast %swap3A_124 : i32 to index
    %swap3A_126 = arith.constant 96 : index
    %swap3A_127 = tpu.vector_load %arg8[%swap3A_125, %swap3A_126] {strides = array<i32>} : memref<2x128xf32, #tpu.memory_space<vmem>>, vector<1x16xf32>,
    %swap3A_128 = vector.shape_cast %swap3A_127 : vector<1x16xf32> to vector<16xf32>
    %swap3A_129 = vector.shape_cast %scan3A_45#6 : vector<16xf32> to vector<1x16xf32>
    tpu.vector_store %arg8[%swap3A_125, %swap3A_126], %swap3A_129 {strides = array<i32>} : memref<2x128xf32, #tpu.memory_space<vmem>>, vector<1x16xf32>,
    %swap3A_130 = arith.constant 0 : i32
    %swap3A_131 = arith.index_cast %swap3A_130 : i32 to index
    %swap3A_132 = arith.constant 112 : index
    %swap3A_133 = tpu.vector_load %arg8[%swap3A_131, %swap3A_132] {strides = array<i32>} : memref<2x128xf32, #tpu.memory_space<vmem>>, vector<1x16xf32>,
    %swap3A_134 = vector.shape_cast %swap3A_133 : vector<1x16xf32> to vector<16xf32>
    %swap3A_135 = vector.shape_cast %scan3A_23#7 : vector<16xf32> to vector<1x16xf32>
    tpu.vector_store %arg8[%swap3A_131, %swap3A_132], %swap3A_135 {strides = array<i32>} : memref<2x128xf32, #tpu.memory_space<vmem>>, vector<1x16xf32>,
    %swap3A_136 = arith.constant 1 : i32
    %swap3A_137 = arith.index_cast %swap3A_136 : i32 to index
    %swap3A_138 = arith.constant 112 : index
    %swap3A_139 = tpu.vector_load %arg8[%swap3A_137, %swap3A_138] {strides = array<i32>} : memref<2x128xf32, #tpu.memory_space<vmem>>, vector<1x16xf32>,
    %swap3A_140 = vector.shape_cast %swap3A_139 : vector<1x16xf32> to vector<16xf32>
    %swap3A_141 = vector.shape_cast %scan3A_45#7 : vector<16xf32> to vector<1x16xf32>
    tpu.vector_store %arg8[%swap3A_137, %swap3A_138], %swap3A_141 {strides = array<i32>} : memref<2x128xf32, #tpu.memory_space<vmem>>, vector<1x16xf32>,
    %run_scoped3A = arith.constant 0 : i32
    "tpu.region"() ({
      %run_scoped3A_143 = tpu.sem_alloc : memref<!tpu.dma_semaphore, #tpu.memory_space<semaphore_mem>>
      %dma_start3A = arith.constant 0 : i32
      %dma_start3A_144 = tpu.memref_slice %arg8[%run_scoped3A, %dma_start3A] : memref<2x128xf32, #tpu.memory_space<vmem>> -> memref<1x128xf32, #tpu.memory_space<vmem>>
      %dma_start3A_145 = tpu.memref_squeeze %dma_start3A_144 : memref<1x128xf32, #tpu.memory_space<vmem>> -> memref<128xf32, #tpu.memory_space<vmem>>
      %dma_start3A_146 = arith.constant 0 : i32
      %dma_start3A_147 = tpu.memref_slice %arg4[%add3A, %dma_start3A_146] : memref<32x128xf32, #tpu.memory_space<hbm>> -> memref<1x128xf32, #tpu.memory_space<hbm>>
      %dma_start3A_148 = tpu.memref_squeeze %dma_start3A_147 : memref<1x128xf32, #tpu.memory_space<hbm>> -> memref<128xf32, #tpu.memory_space<hbm>>
      %dma_start3A_149 = arith.constant 0 : i32
      %dma_start3A_150 = tpu.memref_slice %arg4[%add3A, %dma_start3A_149] : memref<32x128xf32, #tpu.memory_space<hbm>> -> memref<1x128xf32, #tpu.memory_space<hbm>>
      %dma_start3A_151 = tpu.memref_squeeze %dma_start3A_150 : memref<1x128xf32, #tpu.memory_space<hbm>> -> memref<128xf32, #tpu.memory_space<hbm>>
      %dma_start3A_152 = arith.constant 0 : i32
      %dma_start3A_153 = tpu.memref_slice %arg8[%run_scoped3A, %dma_start3A_152] : memref<2x128xf32, #tpu.memory_space<vmem>> -> memref<1x128xf32, #tpu.memory_space<vmem>>
      %dma_start3A_154 = tpu.memref_squeeze %dma_start3A_153 : memref<1x128xf32, #tpu.memory_space<vmem>> -> memref<128xf32, #tpu.memory_space<vmem>>
      tpu.enqueue_dma source(%dma_start3A_154 : memref<128xf32, #tpu.memory_space<vmem>>) target(%dma_start3A_151 : memref<128xf32, #tpu.memory_space<hbm>>) target_semaphore(%run_scoped3A_143 : memref<!tpu.dma_semaphore, #tpu.memory_space<semaphore_mem>>)
      %dma_wait3A = arith.constant 0 : i32
      %dma_wait3A_155 = tpu.memref_slice %arg8[%run_scoped3A, %dma_wait3A] : memref<2x128xf32, #tpu.memory_space<vmem>> -> memref<1x128xf32, #tpu.memory_space<vmem>>
      %dma_wait3A_156 = tpu.memref_squeeze %dma_wait3A_155 : memref<1x128xf32, #tpu.memory_space<vmem>> -> memref<128xf32, #tpu.memory_space<vmem>>
      %dma_wait3A_157 = arith.constant 0 : i32
      %dma_wait3A_158 = tpu.memref_slice %arg4[%add3A, %dma_wait3A_157] : memref<32x128xf32, #tpu.memory_space<hbm>> -> memref<1x128xf32, #tpu.memory_space<hbm>>
      %dma_wait3A_159 = tpu.memref_squeeze %dma_wait3A_158 : memref<1x128xf32, #tpu.memory_space<hbm>> -> memref<128xf32, #tpu.memory_space<hbm>>
      %dma_wait3A_160 = arith.constant 0 : i32
      %dma_wait3A_161 = tpu.memref_slice %arg4[%add3A, %dma_wait3A_160] : memref<32x128xf32, #tpu.memory_space<hbm>> -> memref<1x128xf32, #tpu.memory_space<hbm>>
      %dma_wait3A_162 = tpu.memref_squeeze %dma_wait3A_161 : memref<1x128xf32, #tpu.memory_space<hbm>> -> memref<128xf32, #tpu.memory_space<hbm>>
      %dma_wait3A_163 = arith.constant 0 : i32
      %dma_wait3A_164 = tpu.memref_slice %arg8[%run_scoped3A, %dma_wait3A_163] : memref<2x128xf32, #tpu.memory_space<vmem>> -> memref<1x128xf32, #tpu.memory_space<vmem>>
      %dma_wait3A_165 = tpu.memref_squeeze %dma_wait3A_164 : memref<1x128xf32, #tpu.memory_space<vmem>> -> memref<128xf32, #tpu.memory_space<vmem>>
      tpu.wait_dma2 semaphore(%run_scoped3A_143 : memref<!tpu.dma_semaphore, #tpu.memory_space<semaphore_mem>>) src(%dma_wait3A_165 : memref<128xf32, #tpu.memory_space<vmem>>) dst(%dma_wait3A_162 : memref<128xf32, #tpu.memory_space<hbm>>)
      tpu.yield
    }) : () -> ()
    %run_scoped3A_142 = arith.constant 1 : i32
    "tpu.region"() ({
      %run_scoped3A_143 = tpu.sem_alloc : memref<!tpu.dma_semaphore, #tpu.memory_space<semaphore_mem>>
      %dma_start3A = arith.constant 0 : i32
      %dma_start3A_144 = tpu.memref_slice %arg8[%run_scoped3A_142, %dma_start3A] : memref<2x128xf32, #tpu.memory_space<vmem>> -> memref<1x128xf32, #tpu.memory_space<vmem>>
      %dma_start3A_145 = tpu.memref_squeeze %dma_start3A_144 : memref<1x128xf32, #tpu.memory_space<vmem>> -> memref<128xf32, #tpu.memory_space<vmem>>
      %dma_start3A_146 = arith.constant 0 : i32
      %dma_start3A_147 = tpu.memref_slice %arg5[%add3A, %dma_start3A_146] : memref<32x128xf32, #tpu.memory_space<hbm>> -> memref<1x128xf32, #tpu.memory_space<hbm>>
      %dma_start3A_148 = tpu.memref_squeeze %dma_start3A_147 : memref<1x128xf32, #tpu.memory_space<hbm>> -> memref<128xf32, #tpu.memory_space<hbm>>
      %dma_start3A_149 = arith.constant 0 : i32
      %dma_start3A_150 = tpu.memref_slice %arg5[%add3A, %dma_start3A_149] : memref<32x128xf32, #tpu.memory_space<hbm>> -> memref<1x128xf32, #tpu.memory_space<hbm>>
      %dma_start3A_151 = tpu.memref_squeeze %dma_start3A_150 : memref<1x128xf32, #tpu.memory_space<hbm>> -> memref<128xf32, #tpu.memory_space<hbm>>
      %dma_start3A_152 = arith.constant 0 : i32
      %dma_start3A_153 = tpu.memref_slice %arg8[%run_scoped3A_142, %dma_start3A_152] : memref<2x128xf32, #tpu.memory_space<vmem>> -> memref<1x128xf32, #tpu.memory_space<vmem>>
      %dma_start3A_154 = tpu.memref_squeeze %dma_start3A_153 : memref<1x128xf32, #tpu.memory_space<vmem>> -> memref<128xf32, #tpu.memory_space<vmem>>
      tpu.enqueue_dma source(%dma_start3A_154 : memref<128xf32, #tpu.memory_space<vmem>>) target(%dma_start3A_151 : memref<128xf32, #tpu.memory_space<hbm>>) target_semaphore(%run_scoped3A_143 : memref<!tpu.dma_semaphore, #tpu.memory_space<semaphore_mem>>)
      %dma_wait3A = arith.constant 0 : i32
      %dma_wait3A_155 = tpu.memref_slice %arg8[%run_scoped3A_142, %dma_wait3A] : memref<2x128xf32, #tpu.memory_space<vmem>> -> memref<1x128xf32, #tpu.memory_space<vmem>>
      %dma_wait3A_156 = tpu.memref_squeeze %dma_wait3A_155 : memref<1x128xf32, #tpu.memory_space<vmem>> -> memref<128xf32, #tpu.memory_space<vmem>>
      %dma_wait3A_157 = arith.constant 0 : i32
      %dma_wait3A_158 = tpu.memref_slice %arg5[%add3A, %dma_wait3A_157] : memref<32x128xf32, #tpu.memory_space<hbm>> -> memref<1x128xf32, #tpu.memory_space<hbm>>
      %dma_wait3A_159 = tpu.memref_squeeze %dma_wait3A_158 : memref<1x128xf32, #tpu.memory_space<hbm>> -> memref<128xf32, #tpu.memory_space<hbm>>
      %dma_wait3A_160 = arith.constant 0 : i32
      %dma_wait3A_161 = tpu.memref_slice %arg5[%add3A, %dma_wait3A_160] : memref<32x128xf32, #tpu.memory_space<hbm>> -> memref<1x128xf32, #tpu.memory_space<hbm>>
      %dma_wait3A_162 = tpu.memref_squeeze %dma_wait3A_161 : memref<1x128xf32, #tpu.memory_space<hbm>> -> memref<128xf32, #tpu.memory_space<hbm>>
      %dma_wait3A_163 = arith.constant 0 : i32
      %dma_wait3A_164 = tpu.memref_slice %arg8[%run_scoped3A_142, %dma_wait3A_163] : memref<2x128xf32, #tpu.memory_space<vmem>> -> memref<1x128xf32, #tpu.memory_space<vmem>>
      %dma_wait3A_165 = tpu.memref_squeeze %dma_wait3A_164 : memref<1x128xf32, #tpu.memory_space<vmem>> -> memref<128xf32, #tpu.memory_space<vmem>>
      tpu.wait_dma2 semaphore(%run_scoped3A_143 : memref<!tpu.dma_semaphore, #tpu.memory_space<semaphore_mem>>) src(%dma_wait3A_165 : memref<128xf32, #tpu.memory_space<vmem>>) dst(%dma_wait3A_162 : memref<128xf32, #tpu.memory_space<hbm>>)
      tpu.yield
    }) : () -> ()
    return
  }
}

module attributes {stable_mosaic.version = 14 : i64} {
  func.func @_stats_body(%arg0: i32, %arg1: memref<5280x128xf32, #tpu.memory_space<vmem>>, %arg2: memref<5280x128xi8, #tpu.memory_space<vmem>>, %arg3: memref<8x128xf32, #tpu.memory_space<vmem>>, %arg4: memref<8x128xf32, #tpu.memory_space<vmem>>, %arg5: memref<8x128xf32, #tpu.memory_space<vmem>>, %arg6: memref<8x128xf32, #tpu.memory_space<vmem>>) attributes {dimension_semantics = [#tpu.dimension_semantics<arbitrary>], iteration_bounds = array<i64: 17>, scalar_prefetch = 0 : i64, scratch_operands = 2 : i64, tpu.core_type = #tpu.core_type<tc>, window_params = [{transform_indices = @transform_0, window_bounds = array<i64: 5280, 128>}, {transform_indices = @transform_1, window_bounds = array<i64: 5280, 128>}, {pipeline_mode = #tpu.pipeline_mode<synchronous>, transform_indices = @transform_2, window_bounds = array<i64: 8, 128>}, {pipeline_mode = #tpu.pipeline_mode<synchronous>, transform_indices = @transform_3, window_bounds = array<i64: 8, 128>}]} {
    %eq3A = arith.constant 0 : i32
    %eq3A_0 = arith.cmpi eq, %arg0, %eq3A : i32
    %convert_element_type3A = arith.extui %eq3A_0 : i1 to i32
    %cond3A = arith.constant -1.000000e+09 : f32
    %cond3A_1 = arith.constant 0 : i32
    %cond3A_2 = arith.cmpi ne, %convert_element_type3A, %cond3A_1 : i32
    scf.if %cond3A_2 {
      %broadcast_in_dim3A_39 = vector.broadcast %cond3A : f32 to vector<8x128xf32>
      %swap3A_40 = arith.constant 0 : index
      %swap3A_41 = arith.constant 0 : index
      %swap3A_42 = vector.load %arg5[%swap3A_40, %swap3A_41] : memref<8x128xf32, #tpu.memory_space<vmem>>, vector<8x128xf32>
      tpu.vector_store %arg5[%swap3A_40, %swap3A_41], %broadcast_in_dim3A_39 {strides = array<i32>} : memref<8x128xf32, #tpu.memory_space<vmem>>, vector<8x128xf32>,
      %broadcast_in_dim3A_43 = arith.constant 0.000000e+00 : f32
      %broadcast_in_dim3A_44 = vector.broadcast %broadcast_in_dim3A_43 : f32 to vector<8x128xf32>
      %swap3A_45 = arith.constant 0 : index
      %swap3A_46 = arith.constant 0 : index
      %swap3A_47 = vector.load %arg6[%swap3A_45, %swap3A_46] : memref<8x128xf32, #tpu.memory_space<vmem>>, vector<8x128xf32>
      tpu.vector_store %arg6[%swap3A_45, %swap3A_46], %broadcast_in_dim3A_44 {strides = array<i32>} : memref<8x128xf32, #tpu.memory_space<vmem>>, vector<8x128xf32>,
    } else {
    }
    %get3A = arith.constant 0 : index
    %get3A_3 = arith.constant 0 : index
    %get3A_4 = vector.load %arg2[%get3A, %get3A_3] : memref<5280x128xi8, #tpu.memory_space<vmem>>, vector<5280x128xi8>
    %convert_element_type3A_5 = arith.uitofp %get3A_4 : vector<5280x128xi8> to vector<5280x128xf32>
    %get3A_6 = arith.constant 0 : index
    %get3A_7 = arith.constant 0 : index
    %get3A_8 = vector.load %arg1[%get3A_6, %get3A_7] : memref<5280x128xf32, #tpu.memory_space<vmem>>, vector<5280x128xf32>
    %mul3A = arith.mulf %get3A_8, %convert_element_type3A_5 : vector<5280x128xf32>
    %sub3A = arith.constant 1.000000e+00 : f32
    %sub3A_9 = vector.broadcast %sub3A : f32 to vector<5280x128xf32>
    %sub3A_10 = arith.subf %convert_element_type3A_5, %sub3A_9 : vector<5280x128xf32>
    %neg3A = arith.constant 0.000000e+00 : f32
    %neg3A_11 = arith.constant -1.000000e+09 : f32
    %neg3A_12 = arith.subf %neg3A, %neg3A_11 : f32
    %mul3A_13 = vector.broadcast %neg3A_12 : f32 to vector<5280x128xf32>
    %mul3A_14 = arith.mulf %sub3A_10, %mul3A_13 : vector<5280x128xf32>
    %add3A = arith.addf %mul3A, %mul3A_14 : vector<5280x128xf32>
    %reshape3A = vector.shape_cast %add3A : vector<5280x128xf32> to vector<660x8x128xf32>
    %reduce_max3A = arith.constant dense<0xFF800000> : vector<8x128xf32>
    %reduce_max3A_15 = vector.multi_reduction <maximumf>, %reshape3A, %reduce_max3A [0] : vector<660x8x128xf32> to vector<8x128xf32>
    %get3A_16 = arith.constant 0 : index
    %get3A_17 = arith.constant 0 : index
    %get3A_18 = vector.load %arg5[%get3A_16, %get3A_17] : memref<8x128xf32, #tpu.memory_space<vmem>>, vector<8x128xf32>
    %max3A = arith.maximumf %get3A_18, %reduce_max3A_15 : vector<8x128xf32>
    %broadcast_in_dim3A = vector.shape_cast %max3A : vector<8x128xf32> to vector<1x8x128xf32>
    %sub3A_19 = vector.broadcast %broadcast_in_dim3A : vector<1x8x128xf32> to vector<660x8x128xf32>
    %sub3A_20 = arith.subf %reshape3A, %sub3A_19 : vector<660x8x128xf32>
    %exp3A = math.exp %sub3A_20 : vector<660x8x128xf32>
    %reduce_sum3A = arith.constant dense<0.000000e+00> : vector<8x128xf32>
    %reduce_sum3A_21 = vector.multi_reduction <add>, %exp3A, %reduce_sum3A [0] : vector<660x8x128xf32> to vector<8x128xf32>
    %get3A_22 = arith.constant 0 : index
    %get3A_23 = arith.constant 0 : index
    %get3A_24 = vector.load %arg6[%get3A_22, %get3A_23] : memref<8x128xf32, #tpu.memory_space<vmem>>, vector<8x128xf32>
    %sub3A_25 = arith.subf %get3A_18, %max3A : vector<8x128xf32>
    %exp3A_26 = math.exp %sub3A_25 : vector<8x128xf32>
    %mul3A_27 = arith.mulf %get3A_24, %exp3A_26 : vector<8x128xf32>
    %add3A_28 = arith.addf %mul3A_27, %reduce_sum3A_21 : vector<8x128xf32>
    %swap3A = arith.constant 0 : index
    %swap3A_29 = arith.constant 0 : index
    %swap3A_30 = vector.load %arg5[%swap3A, %swap3A_29] : memref<8x128xf32, #tpu.memory_space<vmem>>, vector<8x128xf32>
    tpu.vector_store %arg5[%swap3A, %swap3A_29], %max3A {strides = array<i32>} : memref<8x128xf32, #tpu.memory_space<vmem>>, vector<8x128xf32>,
    %swap3A_31 = arith.constant 0 : index
    %swap3A_32 = arith.constant 0 : index
    %swap3A_33 = vector.load %arg6[%swap3A_31, %swap3A_32] : memref<8x128xf32, #tpu.memory_space<vmem>>, vector<8x128xf32>
    tpu.vector_store %arg6[%swap3A_31, %swap3A_32], %add3A_28 {strides = array<i32>} : memref<8x128xf32, #tpu.memory_space<vmem>>, vector<8x128xf32>,
    %eq3A_34 = arith.constant 16 : i32
    %eq3A_35 = arith.cmpi eq, %arg0, %eq3A_34 : i32
    %convert_element_type3A_36 = arith.extui %eq3A_35 : i1 to i32
    %cond3A_37 = arith.constant 0 : i32
    %cond3A_38 = arith.cmpi ne, %convert_element_type3A_36, %cond3A_37 : i32
    scf.if %cond3A_38 {
      %swap3A_39 = arith.constant 0 : index
      %swap3A_40 = arith.constant 0 : index
      %swap3A_41 = vector.load %arg3[%swap3A_39, %swap3A_40] : memref<8x128xf32, #tpu.memory_space<vmem>>, vector<8x128xf32>
      tpu.vector_store %arg3[%swap3A_39, %swap3A_40], %max3A {strides = array<i32>} : memref<8x128xf32, #tpu.memory_space<vmem>>, vector<8x128xf32>,
      %swap3A_42 = arith.constant 0 : index
      %swap3A_43 = arith.constant 0 : index
      %swap3A_44 = vector.load %arg4[%swap3A_42, %swap3A_43] : memref<8x128xf32, #tpu.memory_space<vmem>>, vector<8x128xf32>
      tpu.vector_store %arg4[%swap3A_42, %swap3A_43], %add3A_28 {strides = array<i32>} : memref<8x128xf32, #tpu.memory_space<vmem>>, vector<8x128xf32>,
    } else {
    }
    return
  }
  func.func @transform_0(%arg0: i32) -> (i32, i32) {
    %c0_i32 = arith.constant 0 : i32
    %c0_i32_0 = arith.constant 0 : i32
    return %arg0, %c0_i32 : i32, i32
  }
  func.func @transform_1(%arg0: i32) -> (i32, i32) {
    %c0_i32 = arith.constant 0 : i32
    %c0_i32_0 = arith.constant 0 : i32
    return %arg0, %c0_i32 : i32, i32
  }
  func.func @transform_2(%arg0: i32) -> (i32, i32) {
    %c0_i32 = arith.constant 0 : i32
    %c0_i32_0 = arith.constant 0 : i32
    %c0_i32_1 = arith.constant 0 : i32
    return %c0_i32, %c0_i32_0 : i32, i32
  }
  func.func @transform_3(%arg0: i32) -> (i32, i32) {
    %c0_i32 = arith.constant 0 : i32
    %c0_i32_0 = arith.constant 0 : i32
    %c0_i32_1 = arith.constant 0 : i32
    return %c0_i32, %c0_i32_0 : i32, i32
  }
}

module attributes {stable_mosaic.version = 14 : i64} {
  func.func @_argmax_body(%arg0: i32, %arg1: memref<4000x128xf32, #tpu.memory_space<vmem>>, %arg2: memref<4000x128xi8, #tpu.memory_space<vmem>>, %arg3: memref<4000x128xf32, #tpu.memory_space<vmem>>, %arg4: memref<8x128xf32, #tpu.memory_space<vmem>>, %arg5: memref<8x128xf32, #tpu.memory_space<vmem>>, %arg6: memref<32x128xf32, #tpu.memory_space<vmem>>, %arg7: memref<32x128xf32, #tpu.memory_space<vmem>>, %arg8: memref<1x128xi32, #tpu.memory_space<vmem>>, %arg9: memref<1x128xf32, #tpu.memory_space<vmem>>, %arg10: memref<1x128xf32, #tpu.memory_space<vmem>>, %arg11: memref<1x128xf32, #tpu.memory_space<vmem>>, %arg12: memref<8x128xf32, #tpu.memory_space<vmem>>, %arg13: memref<8x128xi32, #tpu.memory_space<vmem>>, %arg14: memref<8x128xf32, #tpu.memory_space<vmem>>) attributes {dimension_semantics = [#tpu.dimension_semantics<arbitrary>], iteration_bounds = array<i64: 25>, scalar_prefetch = 0 : i64, scratch_operands = 5 : i64, tpu.core_type = #tpu.core_type<tc>, window_params = [{transform_indices = @transform_0, window_bounds = array<i64: 4000, 128>}, {transform_indices = @transform_1, window_bounds = array<i64: 4000, 128>}, {transform_indices = @transform_2, window_bounds = array<i64: 4000, 128>}, {pipeline_mode = #tpu.pipeline_mode<synchronous>, transform_indices = @transform_3, window_bounds = array<i64: 8, 128>}, {pipeline_mode = #tpu.pipeline_mode<synchronous>, transform_indices = @transform_4, window_bounds = array<i64: 8, 128>}, {pipeline_mode = #tpu.pipeline_mode<synchronous>, transform_indices = @transform_5, window_bounds = array<i64: 32, 128>}, {pipeline_mode = #tpu.pipeline_mode<synchronous>, transform_indices = @transform_6, window_bounds = array<i64: 32, 128>}, {pipeline_mode = #tpu.pipeline_mode<synchronous>, transform_indices = @transform_7, window_bounds = array<i64: 1, 128>}, {pipeline_mode = #tpu.pipeline_mode<synchronous>, transform_indices = @transform_8, window_bounds = array<i64: 1, 128>}]} {
    %eq3A = arith.constant 0 : i32
    %eq3A_0 = arith.cmpi eq, %arg0, %eq3A : i32
    %convert_element_type3A = arith.extui %eq3A_0 : i1 to i32
    %cond3A = arith.constant 0 : i32
    %cond3A_1 = arith.cmpi ne, %convert_element_type3A, %cond3A : i32
    scf.if %cond3A_1 {
      %get3A_74 = arith.constant 0 : index
      %get3A_75 = arith.constant 0 : index
      %get3A_76 = vector.load %arg4[%get3A_74, %get3A_75] : memref<8x128xf32, #tpu.memory_space<vmem>>, vector<8x128xf32>
      %get3A_77 = arith.constant 0 : index
      %get3A_78 = arith.constant 0 : index
      %get3A_79 = vector.load %arg6[%get3A_77, %get3A_78] : memref<32x128xf32, #tpu.memory_space<vmem>>, vector<32x128xf32>
      %reduce_max3A_80 = arith.constant dense<0xFF800000> : vector<128xf32>
      %reduce_max3A_81 = vector.multi_reduction <maximumf>, %get3A_76, %reduce_max3A_80 [0] : vector<8x128xf32> to vector<128xf32>
      %broadcast_in_dim3A_82 = vector.shape_cast %reduce_max3A_81 : vector<128xf32> to vector<1x128xf32>
      %reduce_max3A_83 = arith.constant dense<0xFF800000> : vector<128xf32>
      %reduce_max3A_84 = vector.multi_reduction <maximumf>, %get3A_79, %reduce_max3A_83 [0] : vector<32x128xf32> to vector<128xf32>
      %broadcast_in_dim3A_85 = vector.shape_cast %reduce_max3A_84 : vector<128xf32> to vector<1x128xf32>
      %max3A = arith.maximumf %broadcast_in_dim3A_82, %broadcast_in_dim3A_85 : vector<1x128xf32>
      %get3A_86 = arith.constant 0 : index
      %get3A_87 = arith.constant 0 : index
      %get3A_88 = vector.load %arg5[%get3A_86, %get3A_87] : memref<8x128xf32, #tpu.memory_space<vmem>>, vector<8x128xf32>
      %sub3A_89 = vector.broadcast %max3A : vector<1x128xf32> to vector<8x128xf32>
      %sub3A_90 = arith.subf %get3A_76, %sub3A_89 : vector<8x128xf32>
      %exp3A_91 = math.exp %sub3A_90 : vector<8x128xf32>
      %mul3A_92 = arith.mulf %get3A_88, %exp3A_91 : vector<8x128xf32>
      %reduce_sum3A_93 = arith.constant dense<0.000000e+00> : vector<128xf32>
      %reduce_sum3A_94 = vector.multi_reduction <add>, %mul3A_92, %reduce_sum3A_93 [0] : vector<8x128xf32> to vector<128xf32>
      %broadcast_in_dim3A_95 = vector.shape_cast %reduce_sum3A_94 : vector<128xf32> to vector<1x128xf32>
      %get3A_96 = arith.constant 0 : index
      %get3A_97 = arith.constant 0 : index
      %get3A_98 = vector.load %arg7[%get3A_96, %get3A_97] : memref<32x128xf32, #tpu.memory_space<vmem>>, vector<32x128xf32>
      %sub3A_99 = vector.broadcast %max3A : vector<1x128xf32> to vector<32x128xf32>
      %sub3A_100 = arith.subf %get3A_79, %sub3A_99 : vector<32x128xf32>
      %exp3A_101 = math.exp %sub3A_100 : vector<32x128xf32>
      %mul3A_102 = arith.mulf %get3A_98, %exp3A_101 : vector<32x128xf32>
      %reduce_sum3A_103 = arith.constant dense<0.000000e+00> : vector<128xf32>
      %reduce_sum3A_104 = vector.multi_reduction <add>, %mul3A_102, %reduce_sum3A_103 [0] : vector<32x128xf32> to vector<128xf32>
      %broadcast_in_dim3A_105 = vector.shape_cast %reduce_sum3A_104 : vector<128xf32> to vector<1x128xf32>
      %add3A_106 = arith.addf %broadcast_in_dim3A_95, %broadcast_in_dim3A_105 : vector<1x128xf32>
      %swap3A_107 = arith.constant 0 : index
      %swap3A_108 = arith.constant 0 : index
      %swap3A_109 = vector.load %arg10[%swap3A_107, %swap3A_108] : memref<1x128xf32, #tpu.memory_space<vmem>>, vector<1x128xf32>
      tpu.vector_store %arg10[%swap3A_107, %swap3A_108], %max3A {strides = array<i32>} : memref<1x128xf32, #tpu.memory_space<vmem>>, vector<1x128xf32>,
      %gt3A_110 = arith.constant -5.000000e+08 : f32
      %gt3A_111 = vector.broadcast %gt3A_110 : f32 to vector<1x128xf32>
      %gt3A_112 = arith.cmpf ogt, %max3A, %gt3A_111 : vector<1x128xf32>
      %add3A_113 = arith.constant 1.000000e+00 : f32
      %add3A_114 = arith.constant 9.99999993E-9 : f32
      %add3A_115 = arith.addf %add3A_113, %add3A_114 : f32
      %mul3A_116 = vector.broadcast %add3A_115 : f32 to vector<1x128xf32>
      %mul3A_117 = arith.mulf %add3A_106, %mul3A_116 : vector<1x128xf32>
      %div3A = arith.constant 1.000000e+00 : f32
      %div3A_118 = vector.broadcast %div3A : f32 to vector<1x128xf32>
      %div3A_119 = arith.divf %div3A_118, %mul3A_117 : vector<1x128xf32>
      %jit3A_120 = arith.constant 0.000000e+00 : f32
      %broadcast_in_dim3A_121 = vector.broadcast %jit3A_120 : f32 to vector<1x128xf32>
      %select_n3A_122 = arith.select %gt3A_112, %div3A_119, %broadcast_in_dim3A_121 : vector<1x128xi1>, vector<1x128xf32>
      %swap3A_123 = arith.constant 0 : index
      %swap3A_124 = arith.constant 0 : index
      %swap3A_125 = vector.load %arg11[%swap3A_123, %swap3A_124] : memref<1x128xf32, #tpu.memory_space<vmem>>, vector<1x128xf32>
      tpu.vector_store %arg11[%swap3A_123, %swap3A_124], %select_n3A_122 {strides = array<i32>} : memref<1x128xf32, #tpu.memory_space<vmem>>, vector<1x128xf32>,
      %broadcast_in_dim3A_126 = arith.constant 0xFF800000 : f32
      %broadcast_in_dim3A_127 = vector.broadcast %broadcast_in_dim3A_126 : f32 to vector<8x128xf32>
      %swap3A_128 = arith.constant 0 : index
      %swap3A_129 = arith.constant 0 : index
      %swap3A_130 = vector.load %arg12[%swap3A_128, %swap3A_129] : memref<8x128xf32, #tpu.memory_space<vmem>>, vector<8x128xf32>
      tpu.vector_store %arg12[%swap3A_128, %swap3A_129], %broadcast_in_dim3A_127 {strides = array<i32>} : memref<8x128xf32, #tpu.memory_space<vmem>>, vector<8x128xf32>,
      %broadcast_in_dim3A_131 = arith.constant 0 : i32
      %broadcast_in_dim3A_132 = vector.broadcast %broadcast_in_dim3A_131 : i32 to vector<8x128xi32>
      %swap3A_133 = arith.constant 0 : index
      %swap3A_134 = arith.constant 0 : index
      %swap3A_135 = vector.load %arg13[%swap3A_133, %swap3A_134] : memref<8x128xi32, #tpu.memory_space<vmem>>, vector<8x128xi32>
      tpu.vector_store %arg13[%swap3A_133, %swap3A_134], %broadcast_in_dim3A_132 {strides = array<i32>} : memref<8x128xi32, #tpu.memory_space<vmem>>, vector<8x128xi32>,
      %broadcast_in_dim3A_136 = arith.constant 0.000000e+00 : f32
      %broadcast_in_dim3A_137 = vector.broadcast %broadcast_in_dim3A_136 : f32 to vector<8x128xf32>
      %swap3A_138 = arith.constant 0 : index
      %swap3A_139 = arith.constant 0 : index
      %swap3A_140 = vector.load %arg14[%swap3A_138, %swap3A_139] : memref<8x128xf32, #tpu.memory_space<vmem>>, vector<8x128xf32>
      tpu.vector_store %arg14[%swap3A_138, %swap3A_139], %broadcast_in_dim3A_137 {strides = array<i32>} : memref<8x128xf32, #tpu.memory_space<vmem>>, vector<8x128xf32>,
    } else {
    }
    %get3A = arith.constant 0 : index
    %get3A_2 = arith.constant 0 : index
    %get3A_3 = vector.load %arg3[%get3A, %get3A_2] : memref<4000x128xf32, #tpu.memory_space<vmem>>, vector<4000x128xf32>
    %reshape3A = vector.shape_cast %get3A_3 : vector<4000x128xf32> to vector<500x8x128xf32>
    %get3A_4 = arith.constant 0 : index
    %get3A_5 = arith.constant 0 : index
    %get3A_6 = vector.load %arg2[%get3A_4, %get3A_5] : memref<4000x128xi8, #tpu.memory_space<vmem>>, vector<4000x128xi8>
    %convert_element_type3A_7 = arith.uitofp %get3A_6 : vector<4000x128xi8> to vector<4000x128xf32>
    %get3A_8 = arith.constant 0 : index
    %get3A_9 = arith.constant 0 : index
    %get3A_10 = vector.load %arg1[%get3A_8, %get3A_9] : memref<4000x128xf32, #tpu.memory_space<vmem>>, vector<4000x128xf32>
    %mul3A = arith.mulf %get3A_10, %convert_element_type3A_7 : vector<4000x128xf32>
    %sub3A = arith.constant 1.000000e+00 : f32
    %sub3A_11 = vector.broadcast %sub3A : f32 to vector<4000x128xf32>
    %sub3A_12 = arith.subf %convert_element_type3A_7, %sub3A_11 : vector<4000x128xf32>
    %neg3A = arith.constant 0.000000e+00 : f32
    %neg3A_13 = arith.constant -1.000000e+09 : f32
    %neg3A_14 = arith.subf %neg3A, %neg3A_13 : f32
    %mul3A_15 = vector.broadcast %neg3A_14 : f32 to vector<4000x128xf32>
    %mul3A_16 = arith.mulf %sub3A_12, %mul3A_15 : vector<4000x128xf32>
    %add3A = arith.addf %mul3A, %mul3A_16 : vector<4000x128xf32>
    %reshape3A_17 = vector.shape_cast %add3A : vector<4000x128xf32> to vector<500x8x128xf32>
    %get3A_18 = arith.constant 0 : index
    %get3A_19 = arith.constant 0 : index
    %get3A_20 = vector.load %arg10[%get3A_18, %get3A_19] : memref<1x128xf32, #tpu.memory_space<vmem>>, vector<1x128xf32>
    %broadcast_in_dim3A = vector.shape_cast %get3A_20 : vector<1x128xf32> to vector<1x1x128xf32>
    %get3A_21 = arith.constant 0 : index
    %get3A_22 = arith.constant 0 : index
    %get3A_23 = vector.load %arg11[%get3A_21, %get3A_22] : memref<1x128xf32, #tpu.memory_space<vmem>>, vector<1x128xf32>
    %broadcast_in_dim3A_24 = vector.shape_cast %get3A_23 : vector<1x128xf32> to vector<1x1x128xf32>
    %sub3A_25 = vector.broadcast %broadcast_in_dim3A : vector<1x1x128xf32> to vector<500x8x128xf32>
    %sub3A_26 = arith.subf %reshape3A_17, %sub3A_25 : vector<500x8x128xf32>
    %exp3A = math.exp %sub3A_26 : vector<500x8x128xf32>
    %mul3A_27 = vector.broadcast %broadcast_in_dim3A_24 : vector<1x1x128xf32> to vector<500x8x128xf32>
    %mul3A_28 = arith.mulf %exp3A, %mul3A_27 : vector<500x8x128xf32>
    %add3A_29 = arith.constant 9.99999971E-10 : f32
    %add3A_30 = vector.broadcast %add3A_29 : f32 to vector<500x8x128xf32>
    %add3A_31 = arith.addf %mul3A_28, %add3A_30 : vector<500x8x128xf32>
    %log3A = math.log %add3A_31 : vector<500x8x128xf32>
    %add3A_32 = arith.addf %log3A, %reshape3A : vector<500x8x128xf32>
    %reduce_max3A = arith.constant dense<0xFF800000> : vector<8x128xf32>
    %reduce_max3A_33 = vector.multi_reduction <maximumf>, %add3A_32, %reduce_max3A [0] : vector<500x8x128xf32> to vector<8x128xf32>
    %argmax3A = tpu.reduce_index %add3A_32 {axis = 0 : i32, kind = #tpu.reduction_kind<arg_max>} : vector<500x8x128xf32> -> vector<8x128xi32>
    %iota3A = tpu.iota {dimensions = array<i32: 0>} : vector<500x8x128xi32>
    %broadcast_in_dim3A_34 = vector.shape_cast %argmax3A : vector<8x128xi32> to vector<1x8x128xi32>
    %eq3A_35 = vector.broadcast %broadcast_in_dim3A_34 : vector<1x8x128xi32> to vector<500x8x128xi32>
    %eq3A_36 = arith.cmpi eq, %iota3A, %eq3A_35 : vector<500x8x128xi32>
    %jit3A = arith.constant 0.000000e+00 : f32
    %broadcast_in_dim3A_37 = vector.broadcast %jit3A : f32 to vector<500x8x128xf32>
    %select_n3A = arith.select %eq3A_36, %reshape3A, %broadcast_in_dim3A_37 : vector<500x8x128xi1>, vector<500x8x128xf32>
    %reduce_sum3A = arith.constant dense<0.000000e+00> : vector<8x128xf32>
    %reduce_sum3A_38 = vector.multi_reduction <add>, %select_n3A, %reduce_sum3A [0] : vector<500x8x128xf32> to vector<8x128xf32>
    %iota3A_39 = tpu.iota {dimensions = array<i32: 0>} : vector<8x128xi32>
    %mul3A_40 = arith.constant 4000 : i32
    %mul3A_41 = arith.muli %arg0, %mul3A_40 : i32
    %mul3A_42 = arith.constant 8 : i32
    %mul3A_43 = vector.broadcast %mul3A_42 : i32 to vector<8x128xi32>
    %mul3A_44 = arith.muli %argmax3A, %mul3A_43 : vector<8x128xi32>
    %add3A_45 = vector.broadcast %mul3A_41 : i32 to vector<8x128xi32>
    %add3A_46 = arith.addi %add3A_45, %mul3A_44 : vector<8x128xi32>
    %add3A_47 = arith.addi %add3A_46, %iota3A_39 : vector<8x128xi32>
    %get3A_48 = arith.constant 0 : index
    %get3A_49 = arith.constant 0 : index
    %get3A_50 = vector.load %arg12[%get3A_48, %get3A_49] : memref<8x128xf32, #tpu.memory_space<vmem>>, vector<8x128xf32>
    %gt3A = arith.cmpf ogt, %reduce_max3A_33, %get3A_50 : vector<8x128xf32>
    %select_n3A_51 = arith.select %gt3A, %reduce_max3A_33, %get3A_50 : vector<8x128xi1>, vector<8x128xf32>
    %get3A_52 = arith.constant 0 : index
    %get3A_53 = arith.constant 0 : index
    %get3A_54 = vector.load %arg13[%get3A_52, %get3A_53] : memref<8x128xi32, #tpu.memory_space<vmem>>, vector<8x128xi32>
    %select_n3A_55 = arith.select %gt3A, %add3A_47, %get3A_54 : vector<8x128xi1>, vector<8x128xi32>
    %get3A_56 = arith.constant 0 : index
    %get3A_57 = arith.constant 0 : index
    %get3A_58 = vector.load %arg14[%get3A_56, %get3A_57] : memref<8x128xf32, #tpu.memory_space<vmem>>, vector<8x128xf32>
    %select_n3A_59 = arith.select %gt3A, %reduce_sum3A_38, %get3A_58 : vector<8x128xi1>, vector<8x128xf32>
    %swap3A = arith.constant 0 : index
    %swap3A_60 = arith.constant 0 : index
    %swap3A_61 = vector.load %arg12[%swap3A, %swap3A_60] : memref<8x128xf32, #tpu.memory_space<vmem>>, vector<8x128xf32>
    tpu.vector_store %arg12[%swap3A, %swap3A_60], %select_n3A_51 {strides = array<i32>} : memref<8x128xf32, #tpu.memory_space<vmem>>, vector<8x128xf32>,
    %swap3A_62 = arith.constant 0 : index
    %swap3A_63 = arith.constant 0 : index
    %swap3A_64 = vector.load %arg13[%swap3A_62, %swap3A_63] : memref<8x128xi32, #tpu.memory_space<vmem>>, vector<8x128xi32>
    tpu.vector_store %arg13[%swap3A_62, %swap3A_63], %select_n3A_55 {strides = array<i32>} : memref<8x128xi32, #tpu.memory_space<vmem>>, vector<8x128xi32>,
    %swap3A_65 = arith.constant 0 : index
    %swap3A_66 = arith.constant 0 : index
    %swap3A_67 = vector.load %arg14[%swap3A_65, %swap3A_66] : memref<8x128xf32, #tpu.memory_space<vmem>>, vector<8x128xf32>
    tpu.vector_store %arg14[%swap3A_65, %swap3A_66], %select_n3A_59 {strides = array<i32>} : memref<8x128xf32, #tpu.memory_space<vmem>>, vector<8x128xf32>,
    %eq3A_68 = arith.constant 24 : i32
    %eq3A_69 = arith.cmpi eq, %arg0, %eq3A_68 : i32
    %convert_element_type3A_70 = arith.extui %eq3A_69 : i1 to i32
    %cond3A_71 = arith.constant 1073741824 : i32
    %cond3A_72 = arith.constant 0 : i32
    %cond3A_73 = arith.cmpi ne, %convert_element_type3A_70, %cond3A_72 : i32
    scf.if %cond3A_73 {
      %reduce_max3A_74 = arith.constant dense<0xFF800000> : vector<128xf32>
      %reduce_max3A_75 = vector.multi_reduction <maximumf>, %select_n3A_51, %reduce_max3A_74 [0] : vector<8x128xf32> to vector<128xf32>
      %broadcast_in_dim3A_76 = vector.shape_cast %reduce_max3A_75 : vector<128xf32> to vector<1x128xf32>
      %eq3A_77 = vector.broadcast %broadcast_in_dim3A_76 : vector<1x128xf32> to vector<8x128xf32>
      %eq3A_78 = arith.cmpf oeq, %select_n3A_51, %eq3A_77 : vector<8x128xf32>
      %broadcast_in_dim3A_79 = vector.broadcast %cond3A_71 : i32 to vector<8x128xi32>
      %select_n3A_80 = arith.select %eq3A_78, %select_n3A_55, %broadcast_in_dim3A_79 : vector<8x128xi1>, vector<8x128xi32>
      %reduce_min3A = arith.constant dense<2147483647> : vector<128xi32>
      %reduce_min3A_81 = vector.multi_reduction <minsi>, %select_n3A_80, %reduce_min3A [0] : vector<8x128xi32> to vector<128xi32>
      %broadcast_in_dim3A_82 = vector.shape_cast %reduce_min3A_81 : vector<128xi32> to vector<1x128xi32>
      %eq3A_83 = vector.broadcast %broadcast_in_dim3A_82 : vector<1x128xi32> to vector<8x128xi32>
      %eq3A_84 = arith.cmpi eq, %select_n3A_55, %eq3A_83 : vector<8x128xi32>
      %jit3A_85 = arith.constant 0.000000e+00 : f32
      %broadcast_in_dim3A_86 = vector.broadcast %jit3A_85 : f32 to vector<8x128xf32>
      %select_n3A_87 = arith.select %eq3A_84, %select_n3A_59, %broadcast_in_dim3A_86 : vector<8x128xi1>, vector<8x128xf32>
      %reduce_sum3A_88 = arith.constant dense<0.000000e+00> : vector<128xf32>
      %reduce_sum3A_89 = vector.multi_reduction <add>, %select_n3A_87, %reduce_sum3A_88 [0] : vector<8x128xf32> to vector<128xf32>
      %broadcast_in_dim3A_90 = vector.shape_cast %reduce_sum3A_89 : vector<128xf32> to vector<1x128xf32>
      %swap3A_91 = arith.constant 0 : index
      %swap3A_92 = arith.constant 0 : index
      %swap3A_93 = vector.load %arg8[%swap3A_91, %swap3A_92] : memref<1x128xi32, #tpu.memory_space<vmem>>, vector<1x128xi32>
      tpu.vector_store %arg8[%swap3A_91, %swap3A_92], %broadcast_in_dim3A_82 {strides = array<i32>} : memref<1x128xi32, #tpu.memory_space<vmem>>, vector<1x128xi32>,
      %sub3A_94 = arith.subf %broadcast_in_dim3A_76, %broadcast_in_dim3A_90 : vector<1x128xf32>
      %swap3A_95 = arith.constant 0 : index
      %swap3A_96 = arith.constant 0 : index
      %swap3A_97 = vector.load %arg9[%swap3A_95, %swap3A_96] : memref<1x128xf32, #tpu.memory_space<vmem>>, vector<1x128xf32>
      tpu.vector_store %arg9[%swap3A_95, %swap3A_96], %sub3A_94 {strides = array<i32>} : memref<1x128xf32, #tpu.memory_space<vmem>>, vector<1x128xf32>,
    } else {
    }
    return
  }
  func.func @transform_0(%arg0: i32) -> (i32, i32) {
    %c0_i32 = arith.constant 0 : i32
    %c0_i32_0 = arith.constant 0 : i32
    return %arg0, %c0_i32 : i32, i32
  }
  func.func @transform_1(%arg0: i32) -> (i32, i32) {
    %c0_i32 = arith.constant 0 : i32
    %c0_i32_0 = arith.constant 0 : i32
    return %arg0, %c0_i32 : i32, i32
  }
  func.func @transform_2(%arg0: i32) -> (i32, i32) {
    %c0_i32 = arith.constant 0 : i32
    %c0_i32_0 = arith.constant 0 : i32
    return %arg0, %c0_i32 : i32, i32
  }
  func.func @transform_3(%arg0: i32) -> (i32, i32) {
    %c0_i32 = arith.constant 0 : i32
    %c0_i32_0 = arith.constant 0 : i32
    %c0_i32_1 = arith.constant 0 : i32
    return %c0_i32, %c0_i32_0 : i32, i32
  }
  func.func @transform_4(%arg0: i32) -> (i32, i32) {
    %c0_i32 = arith.constant 0 : i32
    %c0_i32_0 = arith.constant 0 : i32
    %c0_i32_1 = arith.constant 0 : i32
    return %c0_i32, %c0_i32_0 : i32, i32
  }
  func.func @transform_5(%arg0: i32) -> (i32, i32) {
    %c0_i32 = arith.constant 0 : i32
    %c0_i32_0 = arith.constant 0 : i32
    %c0_i32_1 = arith.constant 0 : i32
    return %c0_i32, %c0_i32_0 : i32, i32
  }
  func.func @transform_6(%arg0: i32) -> (i32, i32) {
    %c0_i32 = arith.constant 0 : i32
    %c0_i32_0 = arith.constant 0 : i32
    %c0_i32_1 = arith.constant 0 : i32
    return %c0_i32, %c0_i32_0 : i32, i32
  }
  func.func @transform_7(%arg0: i32) -> (i32, i32) {
    %c0_i32 = arith.constant 0 : i32
    %c0_i32_0 = arith.constant 0 : i32
    %c0_i32_1 = arith.constant 0 : i32
    return %c0_i32, %c0_i32_0 : i32, i32
  }
  func.func @transform_8(%arg0: i32) -> (i32, i32) {
    %c0_i32 = arith.constant 0 : i32
    %c0_i32_0 = arith.constant 0 : i32
    %c0_i32_1 = arith.constant 0 : i32
    return %c0_i32, %c0_i32_0 : i32, i32
  }
}

</mosaic_0001>

<sc_bundles>
// kernel: kernel.5.cloned.1.call-start
scs
__scs_entry_jumppad:
0x0: {  	(pc) =	sbr.rel $0x88, $3  }
0x1: {  	(tag) =	ssettag $0x0;
	lr =	simm.s32 $0x1  }
0x2: {  	[smem:$0x3F9E] =	sst lr;
	_ =	strace $0xD0000000  }
0x3: {  	_ = 	snop  }
0x4: {  	_ = 	snop  }
0x5: {  	_ = 	snop  }
0x6: {  	_ = 	snop  }
0x7: {  	_ = 	snop  }
__scs_overlays_trampoline_lowered:
0x8: {  	[smem:$0x3FAD] =	sst s0  }
0x9: {  	[smem:$0x3FAE] =	sst s1  }
0xa: {  	[smem:$0x3FAF] =	sst s2  }
0xb: {  	[smem:$0x3FB0] =	sst s3  }
0xc: {  	[smem:$0x3FB1] =	sst s4  }
0xd: {  	[smem:$0x3FB2] =	sst s5  }
0xe: {  	[smem:$0x3FB3] =	sst s6  }
0xf: {  	[smem:$0x3FB4] =	sst s7  }
0x10: {  	[smem:$0x3FB5] =	sst s8  }
0x11: {  	[smem:$0x3FB6] =	sst s9;
	s0 =	simm.s32 @!p0 $0x0  }
0x12: {  	s1 =	sld [smem:$0x3F9C];
	s0 =	simm.s32 @p0 $0x1  }
0x13: {  	[smem:$0x3FB7] =	sst s0;
	s0 =	simm.s32 @!p1 $0x0  }
0x14: {  	s2 =	sld [smem:$0x3F9B];
	s0 =	simm.s32 @p1 $0x1  }
0x15: {  	[smem:$0x3FB8] =	sst s0;
	s0 =	simm.s32 @!p2 $0x0  }
0x16: {  	s3 =	sld [smem:$0x3FDB];
	s0 =	simm.s32 @p2 $0x1  }
0x17: {  	s4 =	simm.s32 $0x1BF5;
	[smem:$0x3FBA] =	sst s0  }
0x18: {  	s0 =	sld [smem:$0x3F9D];
	_ =	swait.ge [sflag:s4], $0x0  }
0x19: {  	s7 =	sld [smem:$0x3F9E]  }
0x1a: {  	s8 =	sadd.s32 $0xFFFFE003, lr  }
0x1b: {  	s9 =	sadd.s32 $0xFFFFFEF7, lr;
	s5 =	simm.s32 $0xFFFFFFFF;
	p2 =	slt.u32 s8, $0xFFFFF086  }
0x1c: {  	p1 =	slt.u32 s9, $0xF7A;
	s5 =	simm.s32 @!p2 $0x0  }
0x1d: {  	s5 =	simm.s32 @p1 $0x1;
	p0 =	seq.s32 s7, s2  }
0x1e: {  	s7 =	smul.u32 @!p0 $0xF7A, s2;
	p2 =	seq.s32 @!p0 s5, $0x0  }
0x1f: {  	s9 =	smul.u32 $0xF7A, s1;
	s8 =	simm.s32 @!p0 $0x1BF5;
	p2 =	por !p2, p0  }
0x20: {  	[sflag:s8] =	ssyncset.s32 @!p0 $0xFFFFF086;
	s6 =	sadd.s32 @!p0 s3, s7;
	s7 =	simm.s32 @!p0 $0x108  }
0x21: {  	s3 =	sadd.s32 s3, s9;
	s6 =	sadd.s32 @!p0 $0x88, s6;
	s7 =	simm.s32 @p2 $0x1082  }
0x22: {  	[simem:s7], [sflag:s8] =	dma.local @!p0 [hbm:s6], $0xF7A  }
0x23: {  	s9 =	sor.u32 $0xD0000000, s2;
	s6 =	simm.s32 $0x108;
	_ =	swait.ge @!p0 [sflag:s8], $0x0  }
0x24: {  	s3 =	sadd.s32 $0x88, s3;
	s6 =	simm.s32 @!p1 $0x1082;
	[sflag:s4] =	ssyncset.s32 $0xFFFFF086  }
0x25: {  	[simem:s6], [sflag:s4] =	dma.local [hbm:s3], $0xF7A  }
0x26: {  	[smem:$0x3F9E] =	sst s1;
	(tag) =	ssettag s2;
	_ =	strace s9  }
0x27: {  	s1 =	sld [smem:$0x3FAE]  }
0x28: {  	s2 =	sld [smem:$0x3FAF]  }
0x29: {  	s4 =	sld [smem:$0x3FB1]  }
0x2a: {  	p0 =	seq.s32 s5, $0x0;
	s5 =	sld [smem:$0x3FB2]  }
0x2b: {  	s6 =	sld [smem:$0x3FB3]  }
0x2c: {  	s7 =	sld [smem:$0x3FB4]  }
0x2d: {  	s3 =	simm.s32 $0x108;
	s8 =	sld [smem:$0x3FB5]  }
0x2e: {  	s3 =	simm.s32 @!p0 $0x1082;
	s9 =	sld [smem:$0x3FB6]  }
0x2f: {  	lr =	sadd.s32 s0, s3;
	s0 =	sld [smem:$0x3FAD]  }
0x30: {  	s3 =	sld [smem:$0x3FB0]  }
0x31: {  	[smem:$0x3FB9] =	sst s10  }
0x32: {  	s10 =	sld [smem:$0x3FB7];
	_ =	sdelay $0x3  }
0x33: {  	p0 =	seq.s32 s10, $0x1;
	s10 =	sld [smem:$0x3FB9];
	_ =	sdelay $0x3  }
0x34: {  	[smem:$0x3FB9] =	sst s10  }
0x35: {  	s10 =	sld [smem:$0x3FB8];
	_ =	sdelay $0x3  }
0x36: {  	p1 =	seq.s32 s10, $0x1;
	s10 =	sld [smem:$0x3FB9];
	_ =	sdelay $0x3  }
0x37: {  	[smem:$0x3FB9] =	sst s10  }
0x38: {  	s10 =	sld [smem:$0x3FBA]  }
0x39: {  	_ = 	snop;
	(pc) =	sbr.ind lr, $3  }
0x3a: {  	_ = 	snop  }
0x3b: {  	_ = 	snop  }
0x3c: {  	p2 =	seq.s32 s10, $0x1;
	s10 =	sld [smem:$0x3FB9]  }
0x3d: {  	_ =	shalt  }
0x3e: {  	_ =	shalt  }
0x3f: {  	_ =	shalt  }
0x40: {  	_ =	shalt  }
0x41: {  	_ =	shalt  }
0x42: {  	_ =	shalt  }
0x43: {  	_ =	shalt  }
0x44: {  	_ =	shalt  }
0x45: {  	_ =	shalt  }
0x46: {  	_ =	shalt  }
0x47: {  	_ =	shalt  }
0x48: {  	_ =	shalt  }
0x49: {  	_ =	shalt  }
0x4a: {  	_ =	shalt  }
0x4b: {  	_ =	shalt  }
0x4c: {  	_ =	shalt  }
0x4d: {  	_ =	shalt  }
0x4e: {  	_ =	shalt  }
0x4f: {  	_ =	shalt  }
0x50: {  	_ =	shalt  }
0x51: {  	_ =	shalt  }
0x52: {  	_ =	shalt  }
0x53: {  	_ =	shalt  }
0x54: {  	_ =	shalt  }
0x55: {  	_ =	shalt  }
0x56: {  	_ =	shalt  }
0x57: {  	_ =	shalt  }
0x58: {  	_ =	shalt  }
0x59: {  	_ =	shalt  }
0x5a: {  	_ =	shalt  }
0x5b: {  	_ =	shalt  }
0x5c: {  	_ =	shalt  }
0x5d: {  	_ =	shalt  }
0x5e: {  	_ =	shalt  }
0x5f: {  	_ =	shalt  }
0x60: {  	_ =	shalt  }
0x61: {  	_ =	shalt  }
0x62: {  	_ =	shalt  }
0x63: {  	_ =	shalt  }
0x64: {  	_ =	shalt  }
0x65: {  	_ =	shalt  }
0x66: {  	_ =	shalt  }
0x67: {  	_ =	shalt  }
0x68: {  	_ =	shalt  }
0x69: {  	_ =	shalt  }
0x6a: {  	_ =	shalt  }
0x6b: {  	_ =	shalt  }
0x6c: {  	_ =	shalt  }
0x6d: {  	_ =	shalt  }
0x6e: {  	_ =	shalt  }
0x6f: {  	_ =	shalt  }
0x70: {  	_ =	shalt  }
0x71: {  	_ =	shalt  }
0x72: {  	_ =	shalt  }
0x73: {  	_ =	shalt  }
0x74: {  	_ =	shalt  }
0x75: {  	_ =	shalt  }
0x76: {  	_ =	shalt  }
0x77: {  	_ =	shalt  }
0x78: {  	_ =	shalt  }
0x79: {  	_ =	shalt  }
0x7a: {  	_ =	shalt  }
0x7b: {  	_ =	shalt  }
0x7c: {  	_ =	shalt  }
0x7d: {  	_ =	shalt  }
0x7e: {  	_ =	shalt  }
0x7f: {  	_ =	shalt  }
0x80: {  	_ =	shalt  }
0x81: {  	_ =	shalt  }
0x82: {  	_ =	shalt  }
0x83: {  	_ =	shalt  }
0x84: {  	_ =	shalt  }
0x85: {  	_ =	shalt  }
0x86: {  	_ =	shalt  }
0x87: {  	_ =	shalt  }
.Lfunc_end0:
.L_simem_size_0:
called_computation_lowered:
.L_overlay_start_0:
0x88: {  	s2 =	sld [smem:$0x3FD9]  }
0x89: {  	s3 =	sld [smem:$0x3FFE];
	_ =	sdelay $0x1  }
0x8a: {  	s1 =	srdreg.scid  }
0x8b: {  	s0 =	sand.u32 $0x1, s1  }
0x8c: {  	s17 =	sshll.u32 s0, $0xA;
	s2 =	sadd.s32 s3, s2  }
0x8d: {  	s2 =	sadd.s32 s2, s17  }
0x8e: {  	[smem:$0x3FC5] =	sst s2  }
0x8f: {  	_ = 	snop  }
0x90: {  	s2 =	sld [smem:$0x3FC9];
	(tm) =	ssettm $0x1  }
0x91: {  	s18 =	sld [smem:$0x3FFB];
	_ =	sdelay $0x3  }
0x92: {  	_ =	strace s18  }
0x93: {  	s3 =	sld [smem:$0x3FFC];
	_ =	sdelay $0x3  }
0x94: {  	_ =	strace s3  }
0x95: {  	s3 =	sld [smem:$0x3FFD];
	_ =	sdelay $0x3  }
0x96: {  	_ =	strace s3  }
0x97: {  	_ =	strace $0x8FFFFFFF  }
0x98: {  	s19 =	sld [smem:$0x3FDB];
	_ =	sdelay $0x1  }
0x99: {  	s4 =	simm.s32 $_scs_section_size  }
0x9a: {  	s5 =	simm.s32 $_size__tile_overlayer_lowered;
	s6 =	simm.s32 $_tile_overlayer_lowered  }
0x9b: {  	s22 =	simm.s32 $0x1BFF;
	s21 =	sshll.u32 s6, $0x1;
	s3 =	sadd.s32 s4, s19  }
0x9c: {  	s7 =	simm.s32 $0x0;
	s20 =	sshll.u32 s5, $0x1;
	s5 =	sadd.s32 s21, s3  }
0x9d: {  	[timem:s7], [sflag:s22] =	dma.local [hbm:s5], s20  }
0x9e: {  	_ =	swait.ge [sflag:s22], s20  }
0x9f: {  	s4 =	ssub.s32 $0x0, s20;
	[sflag:s22] =	ssyncset.done $0x0  }
0xa0: {  	[sflag:s22] =	ssyncadd.s32 s4;
	_ =	sdelay $0x1  }
0xa1: {  	s23 =	simm.s32 $0x1B8B  }
0xa2: {  	_ =	swait.ge [sflag:s23], $0x1  }
0xa3: {  	[sflag:s23] =	ssyncset.done $0x0  }
0xa4: {  	s25 =	simm.s32 $0x1B8E;
	s24 =	sld [smem:$0x3FFE];
	[sflag:s23] =	ssyncadd.s32 $0xFFFFFFFF  }
0xa5: {  	s26 =	simm.s32 $execute0_lowered;
	[smem:$0x3FD2] =	sst s25  }
0xa6: {  	s5 =	sshll.u32 s26, $0x1;
	_ =	strace $0x80000046;
	[dreg:$0x1] =	wrdreg $0xFFFFFFFF  }
0xa7: {  	s28 =	simm.s32 $_size_execute0_lowered;
	s3 =	sadd.s32 s3, s5;
	[dreg:$0x0] =	wrdreg $0x0  }
0xa8: {  	s5 =	sshll.u32 s28, $0x1;
	[dreg:$0x2] =	wrdreg s3  }
0xa9: {  	[dreg:$0x3] =	wrdreg s5  }
0xaa: {  	[dreg:$0x4] =	wrdreg $0xC0  }
0xab: {  	_ =	task [dreg:s7], $0x5FFFF  }
0xac: {  	[dreg:$0x1] =	wrdreg $0xFFFFFFFF  }
0xad: {  	[dreg:$0x0] =	wrdreg $0x60  }
0xae: {  	[dreg:$0x2] =	wrdreg s2  }
0xaf: {  	[dreg:$0x3] =	wrdreg s24  }
0xb0: {  	[dreg:$0x4] =	wrdreg $0x9  }
0xb1: {  	_ =	task.clear_ibuf [dreg:s7], $0x5FFFF;
	_ =	strace $0x90000046  }
0xb2: {  	s29 =	simm.s32 $0x9;
	_ =	strace $0x80000048  }
0xb3: {  	_ =	swait.ge [sflag:s29], $0x1  }
0xb4: {  	[sflag:s29] =	ssyncadd.s32 $0xFFFFFFFF  }
0xb5: {  	_ =	strace $0x90000048  }
0xb6: {  	_ =	sfence  }
0xb7: {  	s30 =	sld [smem:$0x0];
	_ =	sdelay $0x2  }
0xb8: {  	s31 =	sshll.u32 s1, $0xD;
	s1 =	sshrl.u32 s1, $0x2  }
0xb9: {  	s3 =	sand.u32 $0x4000, s31;
	s1 =	sadd.s32 s1, s30  }
0xba: {  	s0 =	sor.u32 s3, s0;
	s1 =	sshll.u32 s1, $0x11  }
0xbb: {  	s0 =	sor.u32 s1, s0  }
0xbc: {  	s0 =	sadd.s32 $0x8F2B, s0  }
0xbd: {  	[sflag:s0] =	ssyncadd.remote.s32 $0x1  }
0xbe: {  	_ =	sfence.sel $0xFFFF  }
0xbf: {  	[dreg:$0x0] =	wrdreg $0xFFFFFFFF;
	(pc) =	sbr.abs _section_cstart, $3  }
0xc0: {  	[dreg:$0x1] =	wrdreg $0xFFFFFFFF  }
0xc1: {  	_ =	task.clear_ibuf [dreg:s7], $0x2FFFF;
	_ =	strace $0x9FFFFFFF  }
0xc2: {  	(tm) =	ssettm $0x7FFFFFFF  }
0xc3: {  	_ =	shalt  }
tec
execute0_lowered:
.L_overlay_start_1:
0x0: {  	(tag) =	ssettag $0x1  }
0x1: {  	s1 =	rddreg [dreg:$0x0]  }
0x2: {  	s6 =	rddreg [dreg:$0x1]  }
0x3: {  	s0 =	rddreg [dreg:$0x2]  }
0x4: {  	s3 =	simm.s32 $0x0;
	s4 =	srdreg.scid;
	s2 =	stileid.u32  }
0x5: {  	s10 =	simm.s32 $0x1;
	s11 =	simm.s32 $0x5000;
	s12 =	simm.s32 $0xA000  }
0x6: {  	s13 =	simm.s32 $0xA080;
	s4 =	sand.u32 $0x1, s4;
	s5 =	sshll.u32 s2, $0x1  }
0x7: {  	s14 =	simm.s32 $0x0;
	[smem:$0x7FF] =	sst s3;
	s5 =	sor.u32 s4, s5  }
0x8: {  	_ =	strace $0x80000047;
	s7 =	ssub.s32 $0x2, s4;
	s4 =	smul.u32 $0x140, s5  }
0x9: {  	s8 =	sshll.u32 s5, $0x4;
	s9 =	sshrl.u32 s7, $0x1;
	s5 =	sadd.s32 $0x2000, s6  }
0xa: {  	s8 =	sadd.s32 s8, s6;
	s9 =	ssub.s32 s7, s9;
	s6 =	sadd.s32 $0x15EA0, s4  }
0xb: {  	s7 =	sadd.s32 $0x2A000, s8;
	s8 =	sadd.s32 $0x2A200, s8;
	s9 =	smax.u32 s9, $0x1  }
.LBB2_1:
0xc: {  	v7 =	vimm.f32 $-1.000000000e+09;
	v0 =	vimm.f32 $-1.000000000e+09  }
0xd: {  	v1 =	vimm.f32 $-1.000000000e+09;
	v2 =	vimm.f32 $-1.000000000e+09;
	v3 =	vimm.f32 $-1.000000000e+09  }
0xe: {  	p2 =	por $0x1, $0x1;
	v4 =	vimm.f32 $-1.000000000e+09;
	v5 =	vimm.f32 $-1.000000000e+09;
	v6 =	vimm.f32 $-1.000000000e+09;
	s16 =	simm.s32 $0x0  }
.LBB2_2:
0xf: {  	s15 =	sadd.s32 s6, s16  }
0x10: {  	s15 =	sshll.u32 s15, $0x4  }
0x11: {  	s17 =	simm.s32 $0x0;
	s15 =	sadd.s32 s1, s15  }
0x12: {  	[tilespmem:s17], [sflag:$0x1] =	stream.linear.gather [hbm4b:s15+s17], $0x5000, $0x38;
	[tilespmem:$0xA100] =	vst v63  }
0x13: {  	s30 =	sadd.s32 s4, s16;
	_ =	swait.ge [sflag:s10], $0x5000  }
0x14: {  	s15 =	sshll.u32 s30, $0x4;
	[sflag:s10] =	ssyncset.done $0x0  }
0x15: {  	s15 =	sadd.s32 s5, s15;
	[sflag:s10] =	ssyncadd.s32 $0xFFFFB000  }
0x16: {  	[tilespmem:s11], [sflag:$0x1] =	stream.linear.gather [hbm4b:s15+s17], $0x5000, $0x38;
	[tilespmem:$0xA100] =	vst v63  }
0x17: {  	_ =	swait.ge [sflag:s10], $0x5000  }
0x18: {  	[sflag:s10] =	ssyncset.done $0x0  }
0x19: {  	s31 =	simm.s32 $0x0;
	[sflag:s10] =	ssyncadd.s32 $0xFFFFB000  }
0x1a: {  	v9 =	vld [tilespmem:s31+$0x5070]  }
0x1b: {  	v13 =	vld [tilespmem:s31+$0x5000]  }
0x1c: {  	v14 =	vld [tilespmem:s31+$0x70]  }
0x1d: {  	v16 =	vld [tilespmem:s31+$0x5010]  }
0x1e: {  	v12 =	vld [tilespmem:s31+$0x5020]  }
0x1f: {  	v10 =	vld [tilespmem:s31+$0x5030]  }
0x20: {  	v11 =	vld [tilespmem:s31+$0x5040]  }
0x21: {  	v26 =	vld [tilespmem:s31+$0x10]  }
0x22: {  	v8 =	vld [tilespmem:s31+$0x5050];
	v15 =	vadd.f32 $-1.000000000e+00, v9  }
0x23: {  	v14 =	vmul.f32 v9, v14;
	v9 =	vld [tilespmem:s31+$0x5060]  }
0x24: {  	v20 =	vld [tilespmem:s31+$0x0];
	v17 =	vadd.f32 $-1.000000000e+00, v13;
	v18 =	vadd.f32 $-1.000000000e+00, v16;
	v15 =	vmul.f32 $1.000000000e+09, v15  }
0x25: {  	v22 =	vadd.f32 $-1.000000000e+00, v12;
	v25 =	vadd.f32 $-1.000000000e+00, v11  }
0x26: {  	v21 =	vld [tilespmem:s31+$0x20];
	v26 =	vmul.f32 v16, v26;
	v23 =	vadd.f32 v15, v14;
	v15 =	vadd.f32 $-1.000000000e+00, v10  }
0x27: {  	v24 =	vld [tilespmem:s31+$0x30];
	v27 =	vadd.f32 $-1.000000000e+00, v8;
	v19 =	vmul.f32 $1.000000000e+09, v18;
	v18 =	vmul.f32 $1.000000000e+09, v22  }
0x28: {  	v22 =	vld [tilespmem:s31+$0x40];
	v14 =	vmul.f32 $1.000000000e+09, v17;
	v28 =	vadd.f32 $-1.000000000e+00, v9;
	v17 =	vmul.f32 $1.000000000e+09, v15  }
0x29: {  	v15 =	vmul.f32 $1.000000000e+09, v25;
	v25 =	vmul.f32 v13, v20;
	v20 =	vld [tilespmem:s31+$0x50]  }
0x2a: {  	p0 =	por p2, p2;
	s16 =	simm.s32 $0x400;
	s15 =	simm.s32 $0x80;
	v13 =	vmul.f32 $1.000000000e+09, v27;
	v7 =	vmax.f32 v7, v23;
	v23 =	vld [tilespmem:s31+$0x60];
	v16 =	vmul.f32 $1.000000000e+09, v28  }
.LBB2_3:
0x2b: {  	p1 =	sne.s32 s16, $0x13E00;
	v27 =	vld [tilespmem:s15+$0x5070];
	v14 =	vadd.f32 v14, v25;
	v12 =	vmul.f32 v12, v21  }
0x2c: {  	v25 =	vld [tilespmem:s15+$0x5000];
	v19 =	vadd.f32 v19, v26;
	v10 =	vmul.f32 v10, v24  }
0x2d: {  	v21 =	vld [tilespmem:s15+$0x70];
	v6 =	vmax.f32 v6, v14;
	v14 =	vadd.f32 v18, v12;
	v11 =	vmul.f32 v11, v22  }
0x2e: {  	v26 =	vld [tilespmem:s15+$0x5010];
	v5 =	vmax.f32 v5, v19;
	v17 =	vadd.f32 v17, v10;
	v8 =	vmul.f32 v8, v20  }
0x2f: {  	v12 =	vld [tilespmem:s15+$0x5020];
	v4 =	vmax.f32 v4, v14;
	v14 =	vadd.f32 v15, v11;
	v9 =	vmul.f32 v9, v23  }
0x30: {  	v10 =	vld [tilespmem:s15+$0x5030];
	v15 =	vadd.f32 $-1.000000000e+00, v27;
	v3 =	vmax.f32 v3, v17;
	v13 =	vadd.f32 v13, v8  }
0x31: {  	v17 =	vadd.f32 $-1.000000000e+00, v25;
	v11 =	vld [tilespmem:s15+$0x5040];
	v2 =	vmax.f32 v2, v14;
	v16 =	vadd.f32 v16, v9  }
0x32: {  	v8 =	vld [tilespmem:s15+$0x5050];
	v18 =	vmul.f32 v27, v21;
	v15 =	vmul.f32 $1.000000000e+09, v15;
	v1 =	vmax.f32 v1, v13  }
0x33: {  	v14 =	vmul.f32 $1.000000000e+09, v17;
	v13 =	vadd.f32 $-1.000000000e+00, v26;
	v9 =	vld [tilespmem:s15+$0x5060];
	v0 =	vmax.f32 v0, v16  }
0x34: {  	v16 =	vld [tilespmem:s15+$0x0];
	v17 =	vadd.f32 $-1.000000000e+00, v12;
	v15 =	vadd.f32 v15, v18  }
0x35: {  	v23 =	vld [tilespmem:s15+$0x10];
	v19 =	vmul.f32 $1.000000000e+09, v13;
	v13 =	vadd.f32 $-1.000000000e+00, v10  }
.Ltmp0:
0x36: {  	v21 =	vld [tilespmem:s15+$0x20];
	v18 =	vmul.f32 $1.000000000e+09, v17;
	v20 =	vadd.f32 $-1.000000000e+00, v11;
	v7 =	vmax.f32 v7, v15;
	(pc) =	sbr.rel @p1 .LBB2_3-.Ltmp0, $4  }
0x37: {  	v24 =	vld [tilespmem:s15+$0x30];
	v17 =	vmul.f32 $1.000000000e+09, v13;
	v13 =	vadd.f32 $-1.000000000e+00, v8  }
0x38: {  	v22 =	vld [tilespmem:s15+$0x40];
	v15 =	vmul.f32 $1.000000000e+09, v20;
	v27 =	vadd.f32 $-1.000000000e+00, v9  }
0x39: {  	v25 =	vmul.f32 v25, v16;
	v20 =	vld [tilespmem:s15+$0x50];
	v13 =	vmul.f32 $1.000000000e+09, v13  }
0x3a: {  	v26 =	vmul.f32 v26, v23;
	v23 =	vld [tilespmem:s15+$0x60];
	s15 =	sshra.s32 s16, $0x2;
	s16 =	sadd.s32 $0x200, s16;
	v16 =	vmul.f32 $1.000000000e+09, v27  }
0x3b: {  	v27 =	vld [tilespmem:s15+$0x5070]  }
0x3c: {  	v28 =	vld [tilespmem:s15+$0x5000]  }
0x3d: {  	v29 =	vld [tilespmem:s15+$0x70]  }
0x3e: {  	v30 =	vld [tilespmem:s15+$0x5010]  }
0x3f: {  	v42 =	vld [tilespmem:s15+$0x5030]  }
0x40: {  	v43 =	vld [tilespmem:s15+$0x5040]  }
0x41: {  	v44 =	vld [tilespmem:s15+$0x5050]  }
0x42: {  	v12 =	vmul.f32 v12, v21;
	v45 =	vld [tilespmem:s15+$0x5060]  }
0x43: {  	v14 =	vadd.f32 v14, v25;
	v51 =	vld [tilespmem:s15+$0x30];
	v10 =	vmul.f32 v10, v24  }
0x44: {  	v53 =	vld [tilespmem:s15+$0x40];
	v19 =	vadd.f32 v19, v26;
	v12 =	vadd.f32 v18, v12;
	v11 =	vmul.f32 v11, v22  }
0x45: {  	v57 =	vld [tilespmem:s15+$0x60];
	v6 =	vmax.f32 v6, v14;
	v10 =	vadd.f32 v17, v10;
	v8 =	vmul.f32 v8, v20  }
0x46: {  	v4 =	vmax.f32 v4, v12;
	v11 =	vadd.f32 v15, v11;
	v9 =	vmul.f32 v9, v23  }
0x47: {  	v46 =	vadd.f32 $-1.000000000e+00, v27;
	v3 =	vmax.f32 v3, v10;
	v8 =	vadd.f32 v13, v8  }
0x48: {  	v41 =	vld [tilespmem:s15+$0x5020];
	v47 =	vadd.f32 $-1.000000000e+00, v28;
	v48 =	vmul.f32 v27, v29;
	v50 =	vadd.f32 $-1.000000000e+00, v30  }
0x49: {  	v10 =	vld [tilespmem:s15+$0x0];
	v52 =	vadd.f32 $-1.000000000e+00, v42;
	v54 =	vadd.f32 $-1.000000000e+00, v43;
	v61 =	vmul.f32 v42, v51  }
0x4a: {  	v49 =	vld [tilespmem:s15+$0x20];
	v56 =	vadd.f32 $-1.000000000e+00, v44;
	v62 =	vmul.f32 v43, v53;
	v12 =	vmul.f32 v45, v57  }
0x4b: {  	v2 =	vmax.f32 v2, v11;
	v11 =	vld [tilespmem:s15+$0x10];
	v9 =	vadd.f32 v16, v9;
	v15 =	vmul.f32 $1.000000000e+09, v46  }
0x4c: {  	v1 =	vmax.f32 v1, v8;
	v8 =	vmul.f32 $1.000000000e+09, v47;
	v13 =	vmul.f32 $1.000000000e+09, v50  }
0x4d: {  	v55 =	vld [tilespmem:s15+$0x50];
	v20 =	vmul.f32 $1.000000000e+09, v52;
	v0 =	vmax.f32 v0, v9;
	v9 =	vadd.f32 $-1.000000000e+00, v41  }
0x4e: {  	v5 =	vmax.f32 v5, v19;
	v16 =	vmul.f32 $1.000000000e+09, v54;
	v10 =	vmul.f32 v28, v10  }
0x4f: {  	v58 =	vadd.f32 $-1.000000000e+00, v45;
	v59 =	vmul.f32 $1.000000000e+09, v56;
	v9 =	vmul.f32 $1.000000000e+09, v9  }
0x50: {  	v11 =	vmul.f32 v30, v11;
	v8 =	vadd.f32 v8, v10;
	v10 =	vmul.f32 v41, v49  }
0x51: {  	v60 =	vmul.f32 $1.000000000e+09, v58;
	v15 =	vadd.f32 v15, v48;
	v63 =	vadd.f32 v16, v62  }
.Ltmp1:
0x52: {  	v11 =	vadd.f32 v13, v11;
	v9 =	vadd.f32 v9, v10;
	v10 =	vmul.f32 v44, v55;
	(pc) =	sbr.rel @p0 .LBB2_2-.Ltmp1, $4  }
0x53: {  	v7 =	vmax.f32 v7, v15;
	v6 =	vmax.f32 v6, v8;
	v8 =	vadd.f32 v20, v61  }
0x54: {  	v5 =	vmax.f32 v5, v11;
	v11 =	vadd.f32 v60, v12;
	v10 =	vadd.f32 v59, v10  }
0x55: {  	p1 =	por $0x1, $0x1;
	v2 =	vmax.f32 v2, v63;
	v4 =	vmax.f32 v4, v9;
	v3 =	vmax.f32 v3, v8  }
0x56: {  	s16 =	simm.s32 $0xA0;
	p2 =	por $0x0, $0x0;
	s15 =	simm.s32 $0x0;
	v0 =	vmax.f32 v0, v11;
	v11 =	vimm.f32 $0.0e+00;
	v1 =	vmax.f32 v1, v10  }
0x57: {  	v8 =	vimm.f32 $0.0e+00  }
0x58: {  	v9 =	vimm.f32 $0.0e+00;
	v10 =	vimm.f32 $0.0e+00;
	v15 =	vimm.f32 $0.0e+00  }
0x59: {  	v14 =	vimm.f32 $0.0e+00;
	v13 =	vimm.f32 $0.0e+00;
	v12 =	vimm.f32 $0.0e+00;
	s16 =	simm.s32 $0x0  }
.LBB2_6:
0x5a: {  	s17 =	sadd.s32 s6, s16  }
0x5b: {  	s17 =	sshll.u32 s17, $0x4  }
0x5c: {  	s17 =	sadd.s32 s1, s17  }
0x5d: {  	[tilespmem:s15], [sflag:$0x1] =	stream.linear.gather [hbm4b:s17+s15], $0x5000, $0x38;
	[tilespmem:$0xA100] =	vst v63  }
0x5e: {  	s29 =	sadd.s32 s4, s16;
	_ =	swait.ge [sflag:s10], $0x5000  }
0x5f: {  	s16 =	sshll.u32 s29, $0x4;
	[sflag:s10] =	ssyncset.done $0x0  }
0x60: {  	s16 =	sadd.s32 s5, s16;
	[sflag:s10] =	ssyncadd.s32 $0xFFFFB000  }
0x61: {  	[tilespmem:s11], [sflag:$0x1] =	stream.linear.gather [hbm4b:s16+s15], $0x5000, $0x38;
	[tilespmem:$0xA100] =	vst v63  }
0x62: {  	_ =	swait.ge [sflag:s10], $0x5000  }
0x63: {  	[sflag:s10] =	ssyncset.done $0x0  }
0x64: {  	s30 =	simm.s32 $0x0;
	[sflag:s10] =	ssyncadd.s32 $0xFFFFB000  }
0x65: {  	v16 =	vld [tilespmem:s30+$0x5070]  }
0x66: {  	v17 =	vld [tilespmem:s30+$0x5000]  }
0x67: {  	v18 =	vld [tilespmem:s30+$0x70]  }
0x68: {  	v19 =	vld [tilespmem:s30+$0x5010]  }
0x69: {  	v20 =	vld [tilespmem:s30+$0x5020]  }
0x6a: {  	v21 =	vld [tilespmem:s30+$0x5030]  }
0x6b: {  	v23 =	vld [tilespmem:s30+$0x5040]  }
0x6c: {  	v27 =	vld [tilespmem:s30+$0x0]  }
0x6d: {  	v30 =	vld [tilespmem:s30+$0x20]  }
0x6e: {  	v24 =	vld [tilespmem:s30+$0x5050];
	v22 =	vadd.f32 $-1.000000000e+00, v16  }
0x6f: {  	v16 =	vmul.f32 v16, v18;
	v25 =	vadd.f32 $-1.000000000e+00, v17;
	v26 =	vadd.f32 $-1.000000000e+00, v19  }
0x70: {  	v36 =	vld [tilespmem:s30+$0x60];
	v28 =	vadd.f32 $-1.000000000e+00, v20;
	v29 =	vadd.f32 $-1.000000000e+00, v21;
	v18 =	vmul.f32 $1.000000000e+09, v22  }
0x71: {  	v31 =	vadd.f32 $-1.000000000e+00, v23;
	v17 =	vmul.f32 v17, v27;
	v22 =	vld [tilespmem:s30+$0x5060];
	v25 =	vmul.f32 $1.000000000e+09, v25  }
0x72: {  	v20 =	vmul.f32 v20, v30;
	v28 =	vmul.f32 $1.000000000e+09, v28;
	v16 =	vadd.f32 v18, v16;
	v18 =	vld [tilespmem:s30+$0x10]  }
0x73: {  	v32 =	vld [tilespmem:s30+$0x30];
	v33 =	vadd.f32 $-1.000000000e+00, v24;
	v26 =	vmul.f32 $1.000000000e+09, v26;
	v17 =	vadd.f32 v25, v17  }
0x74: {  	s31 =	simm.s32 $0x80;
	v34 =	vld [tilespmem:s30+$0x40];
	v29 =	vmul.f32 $1.000000000e+09, v29;
	v20 =	vadd.f32 v28, v20;
	v16 =	vsub.f32 v16, v7  }
0x75: {  	v53 =	vld [tilespmem:s31+$0x5050];
	v31 =	vmul.f32 $1.000000000e+09, v31;
	v33 =	vmul.f32 $1.000000000e+09, v33  }
0x76: {  	v27 =	vld [tilespmem:s30+$0x50];
	v17 =	vsub.f32 v17, v6;
	v20 =	vsub.f32 v20, v4;
	v16 =	vmul.f32 $1.442695020e+00, v16  }
0x77: {  	v35 =	vadd.f32 $-1.000000000e+00, v22;
	v22 =	vmul.f32 v22, v36;
	v18 =	vmul.f32 v19, v18  }
0x78: {  	v17 =	vmul.f32 $1.442695020e+00, v17;
	(erf) = vpow2.f32 v16  }
0x79: {  	v20 =	vmul.f32 $1.442695020e+00, v20;
	v16 =	vmul.f32 v21, v32;
	v18 =	vadd.f32 v26, v18  }
0x7a: {  	v57 =	vadd.f32 $-1.000000000e+00, v53;
	v19 =	vmul.f32 $1.000000000e+09, v35;
	v21 =	vmul.f32 v23, v34  }
0x7b: {  	v23 =	vmul.f32 v24, v27;
	v24 =	vld [tilespmem:s31+$0x5070];
	v16 =	vadd.f32 v29, v16;
	v18 =	vsub.f32 v18, v5  }
0x7c: {  	v19 =	vadd.f32 v19, v22;
	(erf) = vpow2.f32 v17;
	v26 =	vld [tilespmem:s31+$0x5020];
	v21 =	vadd.f32 v31, v21  }
0x7d: {  	v22 =	vld [tilespmem:s31+$0x70];
	v23 =	vadd.f32 v33, v23;
	v16 =	vsub.f32 v16, v3;
	v18 =	vmul.f32 $1.442695020e+00, v18  }
0x7e: {  	v25 =	vld [tilespmem:s31+$0x5000];
	v33 =	vmul.f32 $1.000000000e+09, v57;
	v19 =	vsub.f32 v19, v0;
	v21 =	vsub.f32 v21, v2  }
0x7f: {  	v17 =	vld [tilespmem:s31+$0x5010];
	v23 =	vsub.f32 v23, v1;
	v16 =	vmul.f32 $1.442695020e+00, v16;
	(erf) = vpow2.f32 v18  }
0x80: {  	v52 =	vld [tilespmem:s31+$0x5040];
	v27 =	vadd.f32 $-1.000000000e+00, v24;
	v19 =	vmul.f32 $1.442695020e+00, v19;
	(erf) = vpow2.f32 v20  }
0x81: {  	v54 =	vadd.f32 $-1.000000000e+00, v26;
	v18 =	vmul.f32 $1.442695020e+00, v21;
	v21 =	vld [tilespmem:s31+$0x5030];
	v20 =	vpop (erf);
	(erf) = vpow2.f32 v16  }
0x82: {  	v56 =	vld [tilespmem:s31+$0x30];
	v16 =	vmul.f32 v24, v22;
	v11 =	vadd.f32 v20, v11;
	v20 =	vmul.f32 $1.000000000e+09, v27  }
0x83: {  	v51 =	vadd.f32 $-1.000000000e+00, v25;
	v23 =	vmul.f32 $1.442695020e+00, v23;
	v28 =	vmul.f32 $1.000000000e+09, v54;
	v27 =	vld [tilespmem:s31+$0x5060]  }
0x84: {  	v24 =	vadd.f32 $-1.000000000e+00, v17;
	(erf) = vpow2.f32 v18;
	v18 =	vld [tilespmem:s31+$0x0];
	v16 =	vadd.f32 v20, v16  }
0x85: {  	v22 =	vmul.f32 $1.000000000e+09, v51;
	(erf) = vpow2.f32 v23;
	v20 =	vld [tilespmem:s31+$0x10]  }
0x86: {  	v55 =	vld [tilespmem:s31+$0x20];
	v23 =	vmul.f32 $1.000000000e+09, v24;
	v24 =	vadd.f32 $-1.000000000e+00, v21;
	v16 =	vsub.f32 v16, v7  }
0x87: {  	(erf) = vpow2.f32 v19;
	v19 =	vadd.f32 $-1.000000000e+00, v52;
	v21 =	vmul.f32 v21, v56  }
0x88: {  	v59 =	vld [tilespmem:s31+$0x40];
	v58 =	vpop (erf);
	v24 =	vmul.f32 $1.000000000e+09, v24;
	v16 =	vmul.f32 $1.442695020e+00, v16  }
0x89: {  	v12 =	vadd.f32 v58, v12;
	v60 =	vmul.f32 $1.000000000e+09, v19;
	v18 =	vmul.f32 v25, v18;
	v25 =	vld [tilespmem:s31+$0x50]  }
0x8a: {  	v37 =	vld [tilespmem:s31+$0x60];
	v19 =	vadd.f32 $-1.000000000e+00, v27;
	v61 =	vpop (erf);
	v17 =	vmul.f32 v17, v20;
	(erf) = vpow2.f32 v16  }
0x8b: {  	v13 =	vadd.f32 v61, v13;
	v62 =	vpop (erf);
	v20 =	vmul.f32 v26, v55;
	v18 =	vadd.f32 v22, v18  }
0x8c: {  	v19 =	vmul.f32 $1.000000000e+09, v19;
	v14 =	vadd.f32 v62, v14;
	v22 =	vadd.f32 v23, v17  }
0x8d: {  	v26 =	vadd.f32 v28, v20;
	v23 =	vmul.f32 v52, v59;
	v63 =	vsub.f32 v18, v6;
	v16 =	vpop (erf)  }
0x8e: {  	v20 =	vadd.f32 v24, v21;
	v25 =	vmul.f32 v53, v25;
	v15 =	vadd.f32 v16, v15;
	v16 =	vpop (erf)  }
0x8f: {  	v24 =	vsub.f32 v22, v5;
	v21 =	vadd.f32 v60, v23;
	v23 =	vmul.f32 v27, v37;
	v17 =	vpop (erf)  }
0x90: {  	p0 =	por p1, p1;
	s17 =	simm.s32 $0x600;
	s16 =	simm.s32 $0x100;
	v22 =	vmul.f32 $1.442695020e+00, v63;
	v26 =	vsub.f32 v26, v4;
	v25 =	vadd.f32 v33, v25;
	v18 =	vpop (erf)  }
.LBB2_7:
0x91: {  	p1 =	sne.s32 s17, $0x13E00;
	v27 =	vld [tilespmem:s16+$0x5070];
	v24 =	vmul.f32 $1.442695020e+00, v24;
	v20 =	vsub.f32 v20, v3;
	v19 =	vadd.f32 v19, v23  }
0x92: {  	v21 =	vsub.f32 v21, v2;
	v23 =	vld [tilespmem:s16+$0x5000];
	v26 =	vmul.f32 $1.442695020e+00, v26;
	v25 =	vsub.f32 v25, v1  }
0x93: {  	v28 =	vld [tilespmem:s16+$0x70];
	v20 =	vmul.f32 $1.442695020e+00, v20;
	v19 =	vsub.f32 v19, v0;
	(erf) = vpow2.f32 v22;
	v22 =	vpop (erf)  }
0x94: {  	v21 =	vmul.f32 $1.442695020e+00, v21;
	v29 =	vld [tilespmem:s16+$0x5010];
	v25 =	vmul.f32 $1.442695020e+00, v25;
	v11 =	vadd.f32 v22, v11  }
0x95: {  	v10 =	vadd.f32 v16, v10;
	v22 =	vld [tilespmem:s16+$0x5020];
	v19 =	vmul.f32 $1.442695020e+00, v19;
	(erf) = vpow2.f32 v24  }
0x96: {  	v9 =	vadd.f32 v17, v9;
	v16 =	vld [tilespmem:s16+$0x5030];
	v24 =	vadd.f32 $-1.000000000e+00, v27;
	(erf) = vpow2.f32 v26  }
0x97: {  	v8 =	vadd.f32 v18, v8;
	v17 =	vadd.f32 $-1.000000000e+00, v23;
	v26 =	vld [tilespmem:s16+$0x5040];
	(erf) = vpow2.f32 v20  }
0x98: {  	v18 =	vld [tilespmem:s16+$0x5050];
	v20 =	vmul.f32 v27, v28;
	v24 =	vmul.f32 $1.000000000e+09, v24  }
0x99: {  	v17 =	vmul.f32 $1.000000000e+09, v17;
	v27 =	vadd.f32 $-1.000000000e+00, v29;
	v28 =	vld [tilespmem:s16+$0x5060];
	(erf) = vpow2.f32 v21  }
0x9a: {  	v21 =	vld [tilespmem:s16+$0x0];
	v30 =	vadd.f32 $-1.000000000e+00, v22;
	v20 =	vadd.f32 v24, v20;
	(erf) = vpow2.f32 v25  }
0x9b: {  	v24 =	vld [tilespmem:s16+$0x10];
	v25 =	vmul.f32 $1.000000000e+09, v27;
	v27 =	vadd.f32 $-1.000000000e+00, v16;
	(erf) = vpow2.f32 v19  }
0x9c: {  	v31 =	vld [tilespmem:s16+$0x20];
	v30 =	vmul.f32 $1.000000000e+09, v30;
	v19 =	vadd.f32 $-1.000000000e+00, v26;
	v20 =	vsub.f32 v20, v7;
	v32 =	vpop (erf)  }
0x9d: {  	v33 =	vld [tilespmem:s16+$0x30];
	v27 =	vmul.f32 $1.000000000e+09, v27;
	v34 =	vadd.f32 $-1.000000000e+00, v18;
	v12 =	vadd.f32 v32, v12  }
0x9e: {  	v32 =	vld [tilespmem:s16+$0x40];
	v35 =	vmul.f32 $1.000000000e+09, v19;
	v19 =	vadd.f32 $-1.000000000e+00, v28;
	v38 =	vmul.f32 $1.442695020e+00, v20;
	v36 =	vpop (erf)  }
0x9f: {  	v21 =	vmul.f32 v23, v21;
	v23 =	vld [tilespmem:s16+$0x50];
	v34 =	vmul.f32 $1.000000000e+09, v34;
	v13 =	vadd.f32 v36, v13;
	v36 =	vpop (erf)  }
0xa0: {  	v37 =	vld [tilespmem:s16+$0x60];
	v19 =	vmul.f32 $1.000000000e+09, v19;
	(erf) = vpow2.f32 v38;
	v14 =	vadd.f32 v36, v14;
	v20 =	vpop (erf)  }
0xa1: {  	v36 =	vmul.f32 v29, v24;
	v21 =	vadd.f32 v17, v21;
	v22 =	vmul.f32 v22, v31  }
.Ltmp2:
0xa2: {  	v15 =	vadd.f32 v20, v15;
	v24 =	vmul.f32 v16, v33;
	v16 =	vpop (erf);
	(pc) =	sbr.rel @p1 .LBB2_7-.Ltmp2, $4  }
0xa3: {  	v25 =	vadd.f32 v25, v36;
	v29 =	vadd.f32 v30, v22;
	v22 =	vmul.f32 v26, v32;
	v17 =	vpop (erf)  }
0xa4: {  	v26 =	vsub.f32 v21, v6;
	v20 =	vadd.f32 v27, v24;
	v27 =	vmul.f32 v18, v23;
	v18 =	vpop (erf)  }
0xa5: {  	v24 =	vsub.f32 v25, v5;
	v21 =	vadd.f32 v35, v22;
	v23 =	vmul.f32 v28, v37  }
0xa6: {  	s16 =	sshra.s32 s17, $0x2;
	s17 =	sadd.s32 $0x200, s17;
	v22 =	vmul.f32 $1.442695020e+00, v26;
	v26 =	vsub.f32 v29, v4;
	v25 =	vadd.f32 v34, v27  }
0xa7: {  	v27 =	vld [tilespmem:s16+$0x5070]  }
0xa8: {  	v28 =	vld [tilespmem:s16+$0x5000]  }
0xa9: {  	v29 =	vld [tilespmem:s16+$0x70]  }
0xaa: {  	v30 =	vld [tilespmem:s16+$0x5010]  }
0xab: {  	v59 =	vld [tilespmem:s16+$0x5020]  }
0xac: {  	v60 =	vld [tilespmem:s16+$0x5030]  }
0xad: {  	v61 =	vld [tilespmem:s16+$0x5040]  }
0xae: {  	v62 =	vld [tilespmem:s16+$0x5050]  }
0xaf: {  	v63 =	vld [tilespmem:s16+$0x5060]  }
0xb0: {  	v20 =	vsub.f32 v20, v3;
	v40 =	vld [tilespmem:s16+$0x0]  }
0xb1: {  	v24 =	vmul.f32 $1.442695020e+00, v24;
	v19 =	vadd.f32 v19, v23;
	v21 =	vsub.f32 v21, v2;
	v41 =	vld [tilespmem:s16+$0x10]  }
0xb2: {  	v46 =	vld [tilespmem:s16+$0x30];
	v58 =	vmul.f32 $1.442695020e+00, v26;
	v25 =	vsub.f32 v25, v1;
	(erf) = vpow2.f32 v22  }
0xb3: {  	v37 =	vld [tilespmem:s16+$0x40];
	v20 =	vmul.f32 $1.442695020e+00, v20;
	v19 =	vsub.f32 v19, v0;
	v21 =	vmul.f32 $1.442695020e+00, v21  }
0xb4: {  	v48 =	vld [tilespmem:s16+$0x50];
	(erf) = vpow2.f32 v24;
	v25 =	vmul.f32 $1.442695020e+00, v25  }
0xb5: {  	v49 =	vld [tilespmem:s16+$0x60];
	(erf) = vpow2.f32 v58;
	v19 =	vmul.f32 $1.442695020e+00, v19  }
0xb6: {  	v42 =	vld [tilespmem:s16+$0x20];
	(erf) = vpow2.f32 v20;
	v31 =	vadd.f32 $-1.000000000e+00, v27;
	v27 =	vmul.f32 v27, v29  }
0xb7: {  	v32 =	vadd.f32 $-1.000000000e+00, v28;
	(erf) = vpow2.f32 v21;
	v28 =	vmul.f32 v28, v40  }
0xb8: {  	v33 =	vadd.f32 $-1.000000000e+00, v30;
	v21 =	vmul.f32 v30, v41;
	v22 =	vmul.f32 v60, v46  }
0xb9: {  	v34 =	vadd.f32 $-1.000000000e+00, v59;
	v24 =	vmul.f32 v61, v37;
	v23 =	vmul.f32 v62, v48  }
0xba: {  	v44 =	vadd.f32 $-1.000000000e+00, v60;
	v20 =	vmul.f32 v63, v49;
	(erf) = vpow2.f32 v25  }
0xbb: {  	v35 =	vadd.f32 $-1.000000000e+00, v61;
	v25 =	vmul.f32 v59, v42;
	v39 =	vmul.f32 $1.000000000e+09, v31  }
0xbc: {  	v36 =	vadd.f32 $-1.000000000e+00, v62;
	v32 =	vmul.f32 $1.000000000e+09, v32;
	v43 =	vmul.f32 $1.000000000e+09, v33  }
0xbd: {  	v47 =	vadd.f32 $-1.000000000e+00, v63;
	(erf) = vpow2.f32 v19;
	v45 =	vmul.f32 $1.000000000e+09, v34  }
0xbe: {  	v33 =	vmul.f32 $1.000000000e+09, v44;
	v27 =	vadd.f32 v39, v27;
	v50 =	vadd.f32 v32, v28  }
0xbf: {  	v35 =	vmul.f32 $1.000000000e+09, v35;
	v21 =	vadd.f32 v43, v21;
	v19 =	vadd.f32 v45, v25  }
0xc0: {  	v36 =	vmul.f32 $1.000000000e+09, v36;
	v22 =	vadd.f32 v33, v22;
	v27 =	vsub.f32 v27, v7  }
0xc1: {  	v31 =	vmul.f32 $1.000000000e+09, v47;
	v24 =	vadd.f32 v35, v24;
	v51 =	vsub.f32 v50, v6  }
0xc2: {  	v23 =	vadd.f32 v36, v23;
	v21 =	vsub.f32 v21, v5;
	v27 =	vmul.f32 $1.442695020e+00, v27  }
0xc3: {  	v20 =	vadd.f32 v31, v20;
	v19 =	vsub.f32 v19, v4;
	v25 =	vmul.f32 $1.442695020e+00, v51  }
0xc4: {  	v22 =	vsub.f32 v22, v3;
	v21 =	vmul.f32 $1.442695020e+00, v21;
	(erf) = vpow2.f32 v27  }
0xc5: {  	v52 =	vpop (erf);
	v24 =	vsub.f32 v24, v2;
	v19 =	vmul.f32 $1.442695020e+00, v19;
	(erf) = vpow2.f32 v25  }
0xc6: {  	v53 =	vpop (erf);
	v23 =	vsub.f32 v23, v1;
	v22 =	vmul.f32 $1.442695020e+00, v22;
	(erf) = vpow2.f32 v21  }
0xc7: {  	v54 =	vpop (erf);
	v20 =	vsub.f32 v20, v0;
	v24 =	vmul.f32 $1.442695020e+00, v24;
	(erf) = vpow2.f32 v19  }
0xc8: {  	v55 =	vpop (erf);
	v23 =	vmul.f32 $1.442695020e+00, v23;
	(erf) = vpow2.f32 v22  }
0xc9: {  	v56 =	vpop (erf);
	v20 =	vmul.f32 $1.442695020e+00, v20;
	(erf) = vpow2.f32 v24  }
0xca: {  	v57 =	vpop (erf);
	(erf) = vpow2.f32 v23  }
0xcb: {  	v58 =	vpop (erf);
	(erf) = vpow2.f32 v20  }
0xcc: {  	v10 =	vadd.f32 v16, v10;
	v59 =	vpop (erf)  }
0xcd: {  	v9 =	vadd.f32 v17, v9;
	v8 =	vadd.f32 v18, v8;
	v60 =	vpop (erf)  }
0xce: {  	v11 =	vadd.f32 v52, v11;
	v12 =	vadd.f32 v53, v12;
	v16 =	vpop (erf)  }
0xcf: {  	v13 =	vadd.f32 v54, v13;
	v14 =	vadd.f32 v55, v14;
	v17 =	vpop (erf)  }
0xd0: {  	v15 =	vadd.f32 v56, v15;
	v10 =	vadd.f32 v57, v10;
	v61 =	vpop (erf)  }
.Ltmp3:
0xd1: {  	v9 =	vadd.f32 v58, v9;
	v8 =	vadd.f32 v59, v8;
	v62 =	vpop (erf);
	(pc) =	sbr.rel @p0 .LBB2_6-.Ltmp3, $4  }
0xd2: {  	v11 =	vadd.f32 v60, v11;
	v12 =	vadd.f32 v16, v12;
	v16 =	vpop (erf)  }
0xd3: {  	v13 =	vadd.f32 v17, v13;
	v14 =	vadd.f32 v61, v14;
	v17 =	vpop (erf)  }
0xd4: {  	v15 =	vadd.f32 v62, v15;
	v10 =	vadd.f32 v16, v10;
	v63 =	vpop (erf)  }
0xd5: {  	s16 =	simm.s32 $0xA0;
	p1 =	por $0x0, $0x0;
	v9 =	vadd.f32 v17, v9;
	v8 =	vadd.f32 v63, v8  }
0xd6: {  	[tilespmem:$0xA000] =	vst v6  }
0xd7: {  	[tilespmem:$0xA080] =	vst v12  }
0xd8: {  	[tilespmem:$0xA010] =	vst v5  }
0xd9: {  	[tilespmem:$0xA090] =	vst v13  }
0xda: {  	[tilespmem:$0xA020] =	vst v4  }
0xdb: {  	[tilespmem:$0xA0A0] =	vst v14  }
0xdc: {  	[tilespmem:$0xA030] =	vst v3  }
0xdd: {  	[tilespmem:$0xA0B0] =	vst v15  }
0xde: {  	[tilespmem:$0xA040] =	vst v2  }
0xdf: {  	[tilespmem:$0xA0C0] =	vst v10  }
0xe0: {  	[tilespmem:$0xA050] =	vst v1  }
0xe1: {  	[tilespmem:$0xA060] =	vst v0  }
0xe2: {  	[tilespmem:$0xA070] =	vst v7  }
0xe3: {  	[tilespmem:$0xA0F0] =	vst v11  }
0xe4: {  	[tilespmem:$0xA0D0] =	vst v9  }
0xe5: {  	[tilespmem:$0xA0E0] =	vst v8  }
0xe6: {  	[hbm4b:s7+s3] =	stream.linear.scatter [tilespmem:s12], [sflag:$0x1], $0x80, $0x38;
	[tilespmem:$0xA100] =	vst v63  }
0xe7: {  	s14 =	sadd.s32 $0x1, s14;
	_ =	swait.ge [sflag:s10], $0x80  }
0xe8: {  	p0 =	sne.s32 s14, s9;
	[sflag:s10] =	ssyncset.done $0x0  }
.Ltmp4:
0xe9: {  	[sflag:s10] =	ssyncadd.s32 $0xFFFFFF80;
	(pc) =	sbr.rel @p0 .LBB2_1-.Ltmp4, $4  }
0xea: {  	[hbm4b:s8+s3] =	stream.linear.scatter [tilespmem:s13], [sflag:$0x1], $0x80, $0x38;
	[tilespmem:$0xA100] =	vst v63  }
0xeb: {  	_ =	swait.ge [sflag:s10], $0x80  }
0xec: {  	[sflag:s10] =	ssyncset.done $0x0  }
0xed: {  	[sflag:s10] =	ssyncadd.s32 $0xFFFFFF80  }
0xee: {  	_ =	sfence.sel $0x180000  }
0xef: {  	[bflag:$0x0] =	sbarrier.arrive $0xFFFF  }
0xf0: {  	p0 =	sne.s32 s2, $0x0;
	_ =	strace $0x90000047  }
0xf1: {  	s0 =	sadd.s32 @!p0 $0x100000, s0;
	[bflag:$0x2] =	sbarrier.arrive $0xFFFF  }
0xf2: {  	[sflag:s0] =	ssyncadd.tile.s32 @!p0 $0x1;
	_ =	shalt  }
.Lfunc_end2:
_tile_overlayer_lowered:
.L_overlay_start_2:
0xf3: {  	(tag) =	ssettag $0x2  }
0xf4: {  	s0 =	rddreg [dreg:$0x0];
	s2 =	stileid.u32  }
0xf5: {  	s1 =	rddreg [dreg:$0x1];
	p0 =	sne.s32 s2, $0x0  }
0xf6: {  	s3 =	rddreg [dreg:$0x2];
	[bflag:$0x3] =	sbarrier.arrive $0xFFFF;
	s2 =	simm.s32 @!p0 $0x1C01  }
0xf7: {  	[timem:s3], [sflag:s2] =	dma.local @!p0 [hbm:s0], s1  }
0xf8: {  	s0 =	simm.s32 @!p0 $0x1  }
0xf9: {  	_ =	swait.ge @!p0 [sflag:s0], s1  }
0xfa: {  	s1 =	ssub.s32 @!p0 $0x0, s1;
	[sflag:s0] =	ssyncset.done @!p0 $0x0  }
0xfb: {  	[sflag:s0] =	ssyncadd.s32 @!p0 s1  }
0xfc: {  	[bflag:$0x3] =	sbarrier.arrive $0xFFFF  }
0xfd: {  	_ =	shalt  }

</sc_bundles>
